<compile_context>
chip_gen: v7x
topology: tpu7x:2x2x1
jax: 0.10.2.dev20260603
libtpu: 0.0.44.dev20260713+nightly
codegen_flags: <defaults>
</compile_context>

<pallas_src>
import jax
import jax.numpy as jnp
from jax.experimental import pallas as pl
from jax.experimental.pallas import tpu as pltpu
from jax.experimental.pallas import tpu_sc as plsc

TOPK = 16
CHUNK = 1024
ROWBLK = 16


def _topk_body(n_valid, h_ref, keys_ref, vals_ref,
               bestv_ref, besti_ref, bestt_ref):
    c = pl.program_id(0)
    bs = h_ref.shape[0]

    @pl.when(c == 0)
    def _init():
        bestv_ref[...] = jnp.full((bs, TOPK), jnp.inf, jnp.float32)
        besti_ref[...] = jnp.zeros((bs, TOPK), jnp.int32)
        bestt_ref[...] = jnp.zeros((bs, TOPK), jnp.int32)

    kc = keys_ref[...]
    ksq = jnp.sum(kc * kc, axis=0, keepdims=True)
    hk = jnp.dot(h_ref[...], kc,
                 preferred_element_type=jnp.float32)
    d = ksq - 2.0 * hk
    base = c * CHUNK
    pos_iota = jax.lax.broadcasted_iota(jnp.int32, (bs, CHUNK), 1)
    d = jnp.where(base + pos_iota < n_valid, d, jnp.inf)
    vblk = vals_ref[...].reshape(1, CHUNK)
    ptk = (pos_iota << 15) | vblk

    thr = bestv_ref[:, TOPK - 1:TOPK]
    cn = jnp.sum((d < thr).astype(jnp.float32), axis=1, keepdims=True)
    cnt = jnp.max(jnp.minimum(cn, float(TOPK))).astype(jnp.int32)

    imax = jnp.iinfo(jnp.int32).max
    lane = jax.lax.broadcasted_iota(jnp.int32, (1, TOPK), 1)

    def shift_right(x):
        return jnp.concatenate([x[:, :1], x[:, :TOPK - 1]], axis=1)

    def cond(carry):
        return carry[0] < cnt

    def step(carry):
        j, d, bv, bi, bt = carry
        m = jnp.min(d, axis=1, keepdims=True)
        key = jnp.min(jnp.where(d == m, ptk, imax),
                      axis=1, keepdims=True)
        d = jnp.where(ptk == key, jnp.inf, d)
        pos = key >> 15
        tok = key & 32767
        ins = m < bv[:, TOPK - 1:TOPK]
        r = jnp.sum((bv <= m).astype(jnp.int32), axis=1, keepdims=True)
        below = lane < r
        at = lane == r
        bv = jnp.where(ins, jnp.where(below, bv,
                       jnp.where(at, m, shift_right(bv))), bv)
        bi = jnp.where(ins, jnp.where(below, bi,
                       jnp.where(at, pos + base, shift_right(bi))), bi)
        bt = jnp.where(ins, jnp.where(below, bt,
                       jnp.where(at, tok, shift_right(bt))), bt)
        return j + 1, d, bv, bi, bt

    _, _, bv, bi, bt = jax.lax.while_loop(
        cond, step,
        (jnp.int32(0), d, bestv_ref[...], besti_ref[...], bestt_ref[...]))

    @pl.when(cnt > 0)
    def _store():
        bestv_ref[...] = bv
        besti_ref[...] = bi
        bestt_ref[...] = bt


def _topk_stage(h, keys_t, vals_padded, n_valid):
    bs, hdim = h.shape
    n_chunks = vals_padded.shape[0] // CHUNK
    from functools import partial
    out3 = pl.BlockSpec((bs, TOPK), lambda c: (0, 0))
    return pl.pallas_call(
        partial(_topk_body, n_valid),
        grid=(n_chunks,),
        in_specs=[
            pl.BlockSpec((bs, hdim), lambda c: (0, 0)),
            pl.BlockSpec((hdim, CHUNK), lambda c: (0, c)),
            pl.BlockSpec((1, 1, CHUNK), lambda c: (c, 0, 0)),
        ],
        out_specs=[out3, out3, out3],
        out_shape=[
            jax.ShapeDtypeStruct((bs, TOPK), jnp.float32),
            jax.ShapeDtypeStruct((bs, TOPK), jnp.int32),
            jax.ShapeDtypeStruct((bs, TOPK), jnp.int32),
        ],
    )(h, keys_t, vals_padded.reshape(n_chunks, 1, CHUNK))


def _sc_gather(keys, idx_flat):
    ni = idx_flat.shape[0]
    d = keys.shape[1]
    mesh = plsc.VectorSubcoreMesh(core_axis_name="c", subcore_axis_name="s")
    n_workers = mesh.num_cores * mesh.num_subcores
    b_per_w = ni // n_workers

    @pl.kernel(
        out_type=jax.ShapeDtypeStruct((ni, d), keys.dtype),
        mesh=mesh,
        scratch_types=[
            pltpu.VMEM((b_per_w,), jnp.int32),
            pltpu.VMEM((b_per_w, d), jnp.float32),
            pltpu.SemaphoreType.DMA,
        ],
    )
    def gather_kernel(keys_hbm, idx_hbm, out_hbm, idx_v, rows_v, sem):
        wid = jax.lax.axis_index("s") * mesh.num_cores + jax.lax.axis_index("c")
        base = wid * b_per_w
        pltpu.sync_copy(idx_hbm.at[pl.ds(base, b_per_w)], idx_v)
        pltpu.async_copy(keys_hbm.at[idx_v], rows_v, sem).wait()
        pltpu.sync_copy(rows_v, out_hbm.at[pl.ds(base, b_per_w)])

    return gather_kernel(keys, idx_flat)


def _vocab_body(h_ref, lg_ref, topd_ref, g_ref, tok_ref,
                wbw_ref, bbw_ref, w1_ref, b1_ref, w2_ref, b2_ref, out_ref):
    hdim = h_ref.shape[1]
    h = h_ref[...]
    g = g_ref[...]
    wbw = wbw_ref[...]
    mean_h = jnp.mean(g, axis=1)
    bw = jnp.exp(
        jnp.sum(h * wbw[:, :hdim], axis=1, keepdims=True)
        + jnp.sum(mean_h * wbw[:, hdim:], axis=1, keepdims=True)
        + bbw_ref[...])

    x = -topd_ref[...] / bw
    x = x - jnp.max(x, axis=1, keepdims=True)
    e_k = jnp.exp(x)
    sp = e_k / jnp.sum(e_k, axis=1, keepdims=True)

    merged = jnp.sum(g * sp[:, :, None], axis=1)
    w1 = w1_ref[...]
    z1 = (jax.lax.dot_general(h, w1[:, :hdim], (((1,), (1,)), ((), ())),
                              preferred_element_type=jnp.float32)
          + jax.lax.dot_general(merged, w1[:, hdim:], (((1,), (1,)), ((), ())),
                                preferred_element_type=jnp.float32)
          + b1_ref[...])
    z1 = jnp.maximum(z1, 0.0)
    mw = jax.nn.sigmoid(
        jnp.sum(z1 * w2_ref[...], axis=1, keepdims=True) + b2_ref[...])

    lg = lg_ref[...]
    m = jnp.max(lg, axis=1, keepdims=True)
    e = jnp.exp(lg - m)
    s = jnp.sum(e, axis=1, keepdims=True)
    acc = e * ((1.0 - mw) / s)

    col = jax.lax.broadcasted_iota(jnp.int32, lg.shape, 1)
    tok = tok_ref[...]
    spw = sp * mw
    k_iota = jax.lax.broadcasted_iota(jnp.int32, tok.shape, 1)
    nk = jnp.minimum(jnp.max(k_iota) + 1, TOPK)

    def add_cond(carry):
        return carry[0] < nk

    def add_tok(carry):
        j, acc = carry
        for t in range(8):
            sel = k_iota == (j + t)
            tok_j = jnp.max(jnp.where(sel, tok, 0), axis=1, keepdims=True)
            spw_j = jnp.max(jnp.where(sel, spw, 0.0), axis=1, keepdims=True)
            acc = acc + jnp.where(col == tok_j, spw_j, 0.0)
        return j + 8, acc

    _, acc = jax.lax.while_loop(add_cond, add_tok, (jnp.int32(0), acc))
    out_ref[...] = jnp.log(acc)


def _vocab_stage(h, lg, topd, g, tok, w_bw, b_bw, w1, b1, w2, b2):
    bs, hdim = h.shape
    v = lg.shape[1]
    fixed = lambda i: (0, 0)
    return pl.pallas_call(
        _vocab_body,
        grid=(bs // ROWBLK,),
        in_specs=[
            pl.BlockSpec((ROWBLK, hdim), lambda i: (i, 0)),
            pl.BlockSpec((ROWBLK, v), lambda i: (i, 0)),
            pl.BlockSpec((ROWBLK, TOPK), lambda i: (i, 0)),
            pl.BlockSpec((ROWBLK, TOPK, hdim), lambda i: (i, 0, 0)),
            pl.BlockSpec((ROWBLK, TOPK), lambda i: (i, 0)),
            pl.BlockSpec((1, 2 * hdim), fixed),
            pl.BlockSpec((1, 1), fixed),
            pl.BlockSpec((hdim, 2 * hdim), fixed),
            pl.BlockSpec((1, hdim), fixed),
            pl.BlockSpec((1, hdim), fixed),
            pl.BlockSpec((1, 1), fixed),
        ],
        out_specs=pl.BlockSpec((ROWBLK, v), lambda i: (i, 0)),
        out_shape=jax.ShapeDtypeStruct((bs, v), jnp.float32),
    )(h, lg, topd, g, tok, w_bw, b_bw, w1, b1, w2, b2)


def kernel(hidden, logits, keys, values, W_bw, b_bw, W1, b1, W2, b2):
    b, s, hdim = hidden.shape
    v = logits.shape[-1]
    bs = b * s
    n = keys.shape[0]
    h = hidden.reshape(bs, hdim)
    lg = logits.reshape(bs, v)

    n_chunks = -(-n // CHUNK)
    n_pad = n_chunks * CHUNK
    keys_t = keys.T
    vals_padded = jnp.concatenate(
        [values.astype(jnp.int32), jnp.zeros((n_pad - n,), dtype=jnp.int32)])

    topd, topi, tok = _topk_stage(h, keys_t, vals_padded, n)

    g_flat = _sc_gather(keys, topi.reshape(-1))
    g = g_flat.reshape(bs, TOPK, hdim)

    out = _vocab_stage(h, lg, topd, g, tok,
                       W_bw, b_bw.reshape(1, 1), W1, b1.reshape(1, hdim),
                       W2, b2.reshape(1, 1))
    return out.reshape(b, s, v)

# --- scband reference (transcript-rebuilt; emitter-appended) ---
"""Pipeline reference for scband-dynamic-combiner-71141838291071 (READ-ONLY COPY).

The authoritative reference and input builder live on the scoring server;
editing this copy changes nothing except your own understanding.
"""

import jax, jax.numpy as jnp
import numpy as np
import math

B, S, H, V = 32, 8, 128, 32000
N_DB = 100000
TOP_K = 16

def setup_inputs(seed: int = 0) -> dict:
    key = jax.random.key(seed)
    ks = jax.random.split(key, 10)
    hidden = jax.random.normal(ks[0], (B, S, H), dtype=jnp.float32)
    logits = jax.random.normal(ks[1], (B, S, V), dtype=jnp.float32)
    # datastore (database): keys are cached hidden states, values are token ids
    keys = jax.random.normal(ks[2], (N_DB, H), dtype=jnp.float32)
    values = jax.random.randint(ks[3], (N_DB,), 0, V, dtype=jnp.int64)
    # bandwidth_estimator: Linear(2*H, 1), bias init to log(100) (GaussianKernel)
    lim_bw = 1.0 / math.sqrt(2 * H)
    W_bw = jax.random.uniform(ks[4], (1, 2 * H), minval=-lim_bw, maxval=lim_bw, dtype=jnp.float32)
    b_bw = jnp.array([math.log(100.0)], dtype=jnp.float32)
    # mixing_weight_estimator: Linear(2*H, H) -> ReLU -> Linear(H, 1)
    lim1 = 1.0 / math.sqrt(2 * H)
    W1 = jax.random.uniform(ks[5], (H, 2 * H), minval=-lim1, maxval=lim1, dtype=jnp.float32)
    b1 = jax.random.uniform(ks[6], (H,), minval=-lim1, maxval=lim1, dtype=jnp.float32)
    lim2 = 1.0 / math.sqrt(H)
    W2 = jax.random.uniform(ks[7], (1, H), minval=-lim2, maxval=lim2, dtype=jnp.float32)
    b2 = jax.random.uniform(ks[8], (1,), minval=-lim2, maxval=lim2, dtype=jnp.float32)
    return {"hidden": hidden, "logits": logits, "keys": keys, "values": values,
            "W_bw": W_bw, "b_bw": b_bw, "W1": W1, "b1": b1, "W2": W2, "b2": b2}

def reference(hidden, logits, keys, values, W_bw, b_bw, W1, b1, W2, b2):
    batch_size, seq_len, hidden_size = hidden.shape
    vocab_size = logits.shape[-1]
    BS = batch_size * seq_len
    h = hidden.reshape(BS, hidden_size)
    lg = logits.reshape(BS, vocab_size)
    # --- database.enhanced_search: brute-force squared-L2 kNN over datastore ---
    q_sq = jnp.sum(h * h, axis=1, keepdims=True)              # (BS, 1)
    k_sq = jnp.sum(keys * keys, axis=1)                        # (N_DB,)
    d2 = q_sq - 2.0 * (h @ keys.T) + k_sq[None, :]             # (BS, N_DB)
    neg_top, top_idx = jax.lax.top_k(-d2, TOP_K)               # nearest = smallest dist
    distances = -neg_top                                       # (BS, K) squared L2
    token_indices = jnp.take(values, top_idx, axis=0)          # (BS, K)
    searched_hidden = jnp.take(keys, top_idx, axis=0)          # (BS, K, H)
    # --- compute_bandwidth ---
    mean_hidden = searched_hidden.mean(axis=1)                 # (BS, H)
    bandwidth = jnp.exp(jnp.concatenate([h, mean_hidden], axis=-1) @ W_bw.T + b_bw)  # (BS, 1)
    # --- model-based distribution ---
    model_based = jax.nn.softmax(lg, axis=-1)                  # (BS, V)
    # --- GaussianKernel.compute_example_based_distribution ---
    sparse_probs = jax.nn.softmax(-distances / bandwidth, axis=-1)  # (BS, K)
    rows = jnp.arange(BS)[:, None]
    example_based = jnp.zeros((BS, vocab_size), dtype=jnp.float32).at[rows, token_indices].add(sparse_probs)
    # --- compute_mixing_weight ---
    merged_hidden = jnp.einsum('bkh,bk->bh', searched_hidden, sparse_probs)  # (BS, H)
    mh = jnp.concatenate([h, merged_hidden], axis=-1)
    mw = jax.nn.sigmoid(jax.nn.relu(mh @ W1.T + b1) @ W2.T + b2)  # (BS, 1)
    mixed = (1.0 - mw) * model_based + mw * example_based
    log_probs = jnp.log(mixed)
    return log_probs.reshape(batch_size, seq_len, vocab_size)

if __name__ == "__main__":
    import jax
    _d = setup_inputs()
    print(jax.jit(kernel)(*tuple(_d.values())))

</pallas_src>

<mosaic_0001>
#map = affine_map<(d0, d1) -> (0, 0)>
#map1 = affine_map<(d0, d1) -> (0)>
module attributes {stable_mosaic.version = 14 : i64} {
  func.func @gather_kernel(%arg0: i32, %arg1: i32, %arg2: memref<100000x128xf32, #tpu.memory_space<hbm>>, %arg3: memref<4096xi32, #tpu.memory_space<hbm>>, %arg4: memref<4096x128xf32, #tpu.memory_space<hbm>>, %arg5: memref<128xi32, #tpu.memory_space<vmem>>, %arg6: memref<128x128xf32, #tpu.memory_space<vmem>>, %arg7: memref<!tpu.dma_semaphore, #tpu.memory_space<semaphore_mem>>) attributes {dimension_semantics = [#tpu.dimension_semantics<core_parallel>, #tpu.dimension_semantics<subcore_parallel>], iteration_bounds = array<i64: 2, 16>, scalar_prefetch = 0 : i64, scratch_operands = 3 : i64, tpu.core_type = #tpu.core_type<sc_vector_subcore>, window_params = [{transform_indices = #map}, {transform_indices = #map1}, {transform_indices = #map}]} {
    %mul3A = arith.constant 2 : i32
    %mul3A_0 = arith.muli %arg1, %mul3A : i32
    %add3A = arith.addi %mul3A_0, %arg0 : i32
    %mul3A_1 = arith.constant 128 : i32
    %mul3A_2 = arith.muli %add3A, %mul3A_1 : i32
    "tpu.region"() ({
      %run_scoped3A = tpu.sem_alloc : memref<!tpu.dma_semaphore, #tpu.memory_space<semaphore_mem>>
      %dma_start3A_7 = tpu.memref_slice %arg3[%mul3A_2] : memref<4096xi32, #tpu.memory_space<hbm>> -> memref<128xi32, #tpu.memory_space<hbm>>
      %dma_start3A_8 = tpu.memref_slice %arg3[%mul3A_2] : memref<4096xi32, #tpu.memory_space<hbm>> -> memref<128xi32, #tpu.memory_space<hbm>>
      tpu.enqueue_dma source(%dma_start3A_8 : memref<128xi32, #tpu.memory_space<hbm>>) target(%arg5 : memref<128xi32, #tpu.memory_space<vmem>>) target_semaphore(%run_scoped3A : memref<!tpu.dma_semaphore, #tpu.memory_space<semaphore_mem>>)
      %dma_wait3A_9 = tpu.memref_slice %arg3[%mul3A_2] : memref<4096xi32, #tpu.memory_space<hbm>> -> memref<128xi32, #tpu.memory_space<hbm>>
      %dma_wait3A_10 = tpu.memref_slice %arg3[%mul3A_2] : memref<4096xi32, #tpu.memory_space<hbm>> -> memref<128xi32, #tpu.memory_space<hbm>>
      tpu.wait_dma2 semaphore(%run_scoped3A : memref<!tpu.dma_semaphore, #tpu.memory_space<semaphore_mem>>) src(%dma_wait3A_10 : memref<128xi32, #tpu.memory_space<hbm>>) dst(%arg5 : memref<128xi32, #tpu.memory_space<vmem>>)
      tpu.yield
    }) : () -> ()
    %dma_start3A = arith.constant 0 : i32
    %dma_start3A_3 = arith.constant 0 : i32
    %dma_start3A_4 = tpu.memref_slice %arg2[%dma_start3A, %dma_start3A_3] : memref<100000x128xf32, #tpu.memory_space<hbm>> -> memref<100000x128xf32, #tpu.memory_space<hbm>>
    tpu.enqueue_indirect_dma source(%dma_start3A_4 : memref<100000x128xf32, #tpu.memory_space<hbm>>) target(%arg6 : memref<128x128xf32, #tpu.memory_space<vmem>>) offsets(%arg5 : memref<128xi32, #tpu.memory_space<vmem>>) semaphore(%arg7 : memref<!tpu.dma_semaphore, #tpu.memory_space<semaphore_mem>>)
    %dma_wait3A = arith.constant 0 : i32
    %dma_wait3A_5 = arith.constant 0 : i32
    %dma_wait3A_6 = tpu.memref_slice %arg2[%dma_wait3A, %dma_wait3A_5] : memref<100000x128xf32, #tpu.memory_space<hbm>> -> memref<100000x128xf32, #tpu.memory_space<hbm>>
    tpu.wait_indirect_dma semaphore(%arg7 : memref<!tpu.dma_semaphore, #tpu.memory_space<semaphore_mem>>) src(%dma_wait3A_6 : memref<100000x128xf32, #tpu.memory_space<hbm>>) dst(%arg6 : memref<128x128xf32, #tpu.memory_space<vmem>>)
    "tpu.region"() ({
      %run_scoped3A = tpu.sem_alloc : memref<!tpu.dma_semaphore, #tpu.memory_space<semaphore_mem>>
      %dma_start3A_7 = arith.constant 0 : i32
      %dma_start3A_8 = tpu.memref_slice %arg4[%mul3A_2, %dma_start3A_7] : memref<4096x128xf32, #tpu.memory_space<hbm>> -> memref<128x128xf32, #tpu.memory_space<hbm>>
      %dma_start3A_9 = arith.constant 0 : i32
      %dma_start3A_10 = tpu.memref_slice %arg4[%mul3A_2, %dma_start3A_9] : memref<4096x128xf32, #tpu.memory_space<hbm>> -> memref<128x128xf32, #tpu.memory_space<hbm>>
      tpu.enqueue_dma source(%arg6 : memref<128x128xf32, #tpu.memory_space<vmem>>) target(%dma_start3A_10 : memref<128x128xf32, #tpu.memory_space<hbm>>) target_semaphore(%run_scoped3A : memref<!tpu.dma_semaphore, #tpu.memory_space<semaphore_mem>>)
      %dma_wait3A_11 = arith.constant 0 : i32
      %dma_wait3A_12 = tpu.memref_slice %arg4[%mul3A_2, %dma_wait3A_11] : memref<4096x128xf32, #tpu.memory_space<hbm>> -> memref<128x128xf32, #tpu.memory_space<hbm>>
      %dma_wait3A_13 = arith.constant 0 : i32
      %dma_wait3A_14 = tpu.memref_slice %arg4[%mul3A_2, %dma_wait3A_13] : memref<4096x128xf32, #tpu.memory_space<hbm>> -> memref<128x128xf32, #tpu.memory_space<hbm>>
      tpu.wait_dma2 semaphore(%run_scoped3A : memref<!tpu.dma_semaphore, #tpu.memory_space<semaphore_mem>>) src(%arg6 : memref<128x128xf32, #tpu.memory_space<vmem>>) dst(%dma_wait3A_14 : memref<128x128xf32, #tpu.memory_space<hbm>>)
      tpu.yield
    }) : () -> ()
    return
  }
}

module attributes {stable_mosaic.version = 14 : i64} {
  func.func @_topk_body(%arg0: i32, %arg1: memref<256x128xf32, #tpu.memory_space<vmem>>, %arg2: memref<128x1024xf32, #tpu.memory_space<vmem>>, %arg3: memref<1x1x1024xi32, #tpu.memory_space<vmem>>, %arg4: memref<256x16xf32, #tpu.memory_space<vmem>>, %arg5: memref<256x16xi32, #tpu.memory_space<vmem>>, %arg6: memref<256x16xi32, #tpu.memory_space<vmem>>) attributes {dimension_semantics = [#tpu.dimension_semantics<arbitrary>], iteration_bounds = array<i64: 98>, scalar_prefetch = 0 : i64, scratch_operands = 0 : i64, tpu.core_type = #tpu.core_type<tc>, window_params = [{pipeline_mode = #tpu.pipeline_mode<synchronous>, transform_indices = @transform_0, window_bounds = array<i64: 256, 128>}, {transform_indices = @transform_1, window_bounds = array<i64: 128, 1024>}, {transform_indices = @transform_2, window_bounds = array<i64: 1, 1, 1024>}, {pipeline_mode = #tpu.pipeline_mode<synchronous>, transform_indices = @transform_3, window_bounds = array<i64: 256, 16>}, {pipeline_mode = #tpu.pipeline_mode<synchronous>, transform_indices = @transform_4, window_bounds = array<i64: 256, 16>}, {pipeline_mode = #tpu.pipeline_mode<synchronous>, transform_indices = @transform_5, window_bounds = array<i64: 256, 16>}]} {
    %eq3A = arith.constant 0 : i32
    %eq3A_0 = arith.cmpi eq, %arg0, %eq3A : i32
    %convert_element_type3A = arith.extui %eq3A_0 : i1 to i32
    %cond3A = arith.constant 0 : i32
    %cond3A_1 = arith.cmpi ne, %convert_element_type3A, %cond3A : i32
    scf.if %cond3A_1 {
      %broadcast_in_dim3A_58 = arith.constant 0x7F800000 : f32
      %broadcast_in_dim3A_59 = vector.broadcast %broadcast_in_dim3A_58 : f32 to vector<256x16xf32>
      %swap3A = arith.constant 0 : index
      %swap3A_60 = arith.constant 0 : index
      %swap3A_61 = vector.load %arg4[%swap3A, %swap3A_60] : memref<256x16xf32, #tpu.memory_space<vmem>>, vector<256x16xf32>
      tpu.vector_store %arg4[%swap3A, %swap3A_60], %broadcast_in_dim3A_59 {strides = array<i32>} : memref<256x16xf32, #tpu.memory_space<vmem>>, vector<256x16xf32>,
      %broadcast_in_dim3A_62 = arith.constant 0 : i32
      %broadcast_in_dim3A_63 = vector.broadcast %broadcast_in_dim3A_62 : i32 to vector<256x16xi32>
      %swap3A_64 = arith.constant 0 : index
      %swap3A_65 = arith.constant 0 : index
      %swap3A_66 = vector.load %arg5[%swap3A_64, %swap3A_65] : memref<256x16xi32, #tpu.memory_space<vmem>>, vector<256x16xi32>
      tpu.vector_store %arg5[%swap3A_64, %swap3A_65], %broadcast_in_dim3A_63 {strides = array<i32>} : memref<256x16xi32, #tpu.memory_space<vmem>>, vector<256x16xi32>,
      %broadcast_in_dim3A_67 = arith.constant 0 : i32
      %broadcast_in_dim3A_68 = vector.broadcast %broadcast_in_dim3A_67 : i32 to vector<256x16xi32>
      %swap3A_69 = arith.constant 0 : index
      %swap3A_70 = arith.constant 0 : index
      %swap3A_71 = vector.load %arg6[%swap3A_69, %swap3A_70] : memref<256x16xi32, #tpu.memory_space<vmem>>, vector<256x16xi32>
      tpu.vector_store %arg6[%swap3A_69, %swap3A_70], %broadcast_in_dim3A_68 {strides = array<i32>} : memref<256x16xi32, #tpu.memory_space<vmem>>, vector<256x16xi32>,
    } else {
    }
    %get3A = arith.constant 0 : index
    %get3A_2 = arith.constant 0 : index
    %get3A_3 = vector.load %arg2[%get3A, %get3A_2] : memref<128x1024xf32, #tpu.memory_space<vmem>>, vector<128x1024xf32>
    %mul3A = arith.mulf %get3A_3, %get3A_3 : vector<128x1024xf32>
    %reduce_sum3A = arith.constant dense<0.000000e+00> : vector<1024xf32>
    %reduce_sum3A_4 = vector.multi_reduction <add>, %mul3A, %reduce_sum3A [0] : vector<128x1024xf32> to vector<1024xf32>
    %broadcast_in_dim3A = vector.shape_cast %reduce_sum3A_4 : vector<1024xf32> to vector<1x1024xf32>
    %get3A_5 = arith.constant 0 : index
    %get3A_6 = arith.constant 0 : index
    %get3A_7 = vector.load %arg1[%get3A_5, %get3A_6] : memref<256x128xf32, #tpu.memory_space<vmem>>, vector<256x128xf32>
    %dot_general3A = arith.constant dense<0.000000e+00> : vector<256x1024xf32>
    %dot_general3A_8 = tpu.matmul %get3A_7, %get3A_3, %dot_general3A {dimension_numbers = #tpu.dot_dimension_numbers<[1], [0], [0], [1], [0, 0, 1, 1], [], []>, transpose_lhs_hint = false} : vector<256x128xf32>, vector<128x1024xf32>, vector<256x1024xf32> -> vector<256x1024xf32>
    %mul3A_9 = arith.constant 2.000000e+00 : f32
    %mul3A_10 = vector.broadcast %mul3A_9 : f32 to vector<256x1024xf32>
    %mul3A_11 = arith.mulf %mul3A_10, %dot_general3A_8 : vector<256x1024xf32>
    %sub3A = vector.broadcast %broadcast_in_dim3A : vector<1x1024xf32> to vector<256x1024xf32>
    %sub3A_12 = arith.subf %sub3A, %mul3A_11 : vector<256x1024xf32>
    %mul3A_13 = arith.constant 1024 : i32
    %mul3A_14 = arith.muli %arg0, %mul3A_13 : i32
    %iota3A = tpu.iota {dimensions = array<i32: 1>} : vector<256x1024xi32>
    %add3A = vector.broadcast %mul3A_14 : i32 to vector<256x1024xi32>
    %add3A_15 = arith.addi %add3A, %iota3A : vector<256x1024xi32>
    %lt3A = arith.constant 100000 : i32
    %lt3A_16 = vector.broadcast %lt3A : i32 to vector<256x1024xi32>
    %lt3A_17 = arith.cmpi slt, %add3A_15, %lt3A_16 : vector<256x1024xi32>
    %jit3A = arith.constant 0x7F800000 : f32
    %broadcast_in_dim3A_18 = vector.broadcast %jit3A : f32 to vector<256x1024xf32>
    %select_n3A = arith.select %lt3A_17, %sub3A_12, %broadcast_in_dim3A_18 : vector<256x1024xi1>, vector<256x1024xf32>
    %get3A_19 = arith.constant 0 : index
    %get3A_20 = arith.constant 0 : index
    %get3A_21 = arith.constant 0 : index
    %get3A_22 = vector.load %arg3[%get3A_19, %get3A_20, %get3A_21] : memref<1x1x1024xi32, #tpu.memory_space<vmem>>, vector<1x1x1024xi32>
    %reshape3A = vector.shape_cast %get3A_22 : vector<1x1x1024xi32> to vector<1x1024xi32>
    %shift_left3A = arith.constant 15 : i32
    %shift_left3A_23 = vector.broadcast %shift_left3A : i32 to vector<256x1024xi32>
    %shift_left3A_24 = arith.shli %iota3A, %shift_left3A_23 : vector<256x1024xi32>
    %or3A = vector.broadcast %reshape3A : vector<1x1024xi32> to vector<256x1024xi32>
    %or3A_25 = arith.ori %shift_left3A_24, %or3A : vector<256x1024xi32>
    %get3A_26 = arith.constant 0 : index
    %get3A_27 = arith.constant 15 : index
    %get3A_28 = vector.load %arg4[%get3A_26, %get3A_27] : memref<256x16xf32, #tpu.memory_space<vmem>>, vector<256x1xf32>
    %lt3A_29 = vector.broadcast %get3A_28 : vector<256x1xf32> to vector<256x1024xf32>
    %lt3A_30 = arith.cmpf olt, %select_n3A, %lt3A_29 : vector<256x1024xf32>
    %convert_element_type3A_31 = arith.extui %lt3A_30 : vector<256x1024xi1> to vector<256x1024xi32>
    %convert_element_type3A_32 = arith.sitofp %convert_element_type3A_31 : vector<256x1024xi32> to vector<256x1024xf32>
    %reduce_sum3A_33 = arith.constant dense<0.000000e+00> : vector<256xf32>
    %reduce_sum3A_34 = vector.multi_reduction <add>, %convert_element_type3A_32, %reduce_sum3A_33 [1] : vector<256x1024xf32> to vector<256xf32>
    %broadcast_in_dim3A_35 = vector.shape_cast %reduce_sum3A_34 : vector<256xf32> to vector<256x1xf32>
    %min3A = arith.constant 1.600000e+01 : f32
    %min3A_36 = vector.broadcast %min3A : f32 to vector<256x1xf32>
    %min3A_37 = arith.minimumf %broadcast_in_dim3A_35, %min3A_36 : vector<256x1xf32>
    %reduce_max3A = vector.shape_cast %min3A_37 : vector<256x1xf32> to vector<1x256x1xf32>
    %reduce_max3A_38 = arith.constant dense<0xFF800000> : vector<1xf32>
    %reduce_max3A_39 = vector.multi_reduction <maximumf>, %reduce_max3A, %reduce_max3A_38 [1, 2] : vector<1x256x1xf32> to vector<1xf32>
    %reduce_max3A_40 = vector.shape_cast %reduce_max3A_39 : vector<1xf32> to vector<1x1x1xf32>
    %reduce_max3A_41 = vector.extract %reduce_max3A_40[0, 0, 0] : f32 from vector<1x1x1xf32>
    %convert_element_type3A_42 = arith.fptosi %reduce_max3A_41 : f32 to i32
    %iota3A_43 = tpu.iota {dimensions = array<i32: 1>} : vector<1x16xi32>
    %get3A_44 = arith.constant 0 : index
    %get3A_45 = arith.constant 0 : index
    %get3A_46 = vector.load %arg4[%get3A_44, %get3A_45] : memref<256x16xf32, #tpu.memory_space<vmem>>, vector<256x16xf32>
    %get3A_47 = arith.constant 0 : index
    %get3A_48 = arith.constant 0 : index
    %get3A_49 = vector.load %arg5[%get3A_47, %get3A_48] : memref<256x16xi32, #tpu.memory_space<vmem>>, vector<256x16xi32>
    %get3A_50 = arith.constant 0 : index
    %get3A_51 = arith.constant 0 : index
    %get3A_52 = vector.load %arg6[%get3A_50, %get3A_51] : memref<256x16xi32, #tpu.memory_space<vmem>>, vector<256x16xi32>
    %while3A = arith.constant 0 : i32
    %while3A_53:5 = scf.while (%while3A_58 = %while3A, %while3A_59 = %select_n3A, %while3A_60 = %get3A_46, %while3A_61 = %get3A_49, %while3A_62 = %get3A_52) : (i32, vector<256x1024xf32>, vector<256x16xf32>, vector<256x16xi32>, vector<256x16xi32>) -> (i32, vector<256x1024xf32>, vector<256x16xf32>, vector<256x16xi32>, vector<256x16xi32>) {
      %lt3A_63 = arith.cmpi slt, %while3A_58, %convert_element_type3A_42 : i32
      scf.condition(%lt3A_63) %while3A_58, %while3A_59, %while3A_60, %while3A_61, %while3A_62 : i32, vector<256x1024xf32>, vector<256x16xf32>, vector<256x16xi32>, vector<256x16xi32>
    } do {
    ^bb0(%while3A_58: i32, %while3A_59: vector<256x1024xf32>, %while3A_60: vector<256x16xf32>, %while3A_61: vector<256x16xi32>, %while3A_62: vector<256x16xi32>):
      %reduce_min3A = arith.constant dense<0x7F800000> : vector<256xf32>
      %reduce_min3A_63 = vector.multi_reduction <minimumf>, %while3A_59, %reduce_min3A [1] : vector<256x1024xf32> to vector<256xf32>
      %broadcast_in_dim3A_64 = vector.shape_cast %reduce_min3A_63 : vector<256xf32> to vector<256x1xf32>
      %eq3A_65 = vector.broadcast %broadcast_in_dim3A_64 : vector<256x1xf32> to vector<256x1024xf32>
      %eq3A_66 = arith.cmpf oeq, %while3A_59, %eq3A_65 : vector<256x1024xf32>
      %jit3A_67 = arith.constant 2147483647 : i32
      %broadcast_in_dim3A_68 = vector.broadcast %jit3A_67 : i32 to vector<256x1024xi32>
      %select_n3A_69 = arith.select %eq3A_66, %or3A_25, %broadcast_in_dim3A_68 : vector<256x1024xi1>, vector<256x1024xi32>
      %reduce_min3A_70 = arith.constant dense<2147483647> : vector<256xi32>
      %reduce_min3A_71 = vector.multi_reduction <minsi>, %select_n3A_69, %reduce_min3A_70 [1] : vector<256x1024xi32> to vector<256xi32>
      %broadcast_in_dim3A_72 = vector.shape_cast %reduce_min3A_71 : vector<256xi32> to vector<256x1xi32>
      %eq3A_73 = vector.broadcast %broadcast_in_dim3A_72 : vector<256x1xi32> to vector<256x1024xi32>
      %eq3A_74 = arith.cmpi eq, %or3A_25, %eq3A_73 : vector<256x1024xi32>
      %jit3A_75 = arith.constant 0x7F800000 : f32
      %broadcast_in_dim3A_76 = vector.broadcast %jit3A_75 : f32 to vector<256x1024xf32>
      %select_n3A_77 = arith.select %eq3A_74, %broadcast_in_dim3A_76, %while3A_59 : vector<256x1024xi1>, vector<256x1024xf32>
      %shift_right_arithmetic3A = arith.constant 15 : i32
      %shift_right_arithmetic3A_78 = vector.broadcast %shift_right_arithmetic3A : i32 to vector<256x1xi32>
      %shift_right_arithmetic3A_79 = arith.shrsi %broadcast_in_dim3A_72, %shift_right_arithmetic3A_78 : vector<256x1xi32>
      %and3A = arith.constant 32767 : i32
      %and3A_80 = vector.broadcast %and3A : i32 to vector<256x1xi32>
      %and3A_81 = arith.andi %broadcast_in_dim3A_72, %and3A_80 : vector<256x1xi32>
      %slice3A = vector.extract_strided_slice %while3A_60 {offsets = [0, 15], sizes = [256, 1], strides = [1, 1]} : vector<256x16xf32> to vector<256x1xf32>
      %lt3A_82 = arith.cmpf olt, %broadcast_in_dim3A_64, %slice3A : vector<256x1xf32>
      %le3A = vector.broadcast %broadcast_in_dim3A_64 : vector<256x1xf32> to vector<256x16xf32>
      %le3A_83 = arith.cmpf ole, %while3A_60, %le3A : vector<256x16xf32>
      %convert_element_type3A_84 = arith.extui %le3A_83 : vector<256x16xi1> to vector<256x16xi32>
      %reduce_sum3A_85 = arith.constant dense<0> : vector<256xi32>
      %reduce_sum3A_86 = vector.multi_reduction <add>, %convert_element_type3A_84, %reduce_sum3A_85 [1] : vector<256x16xi32> to vector<256xi32>
      %broadcast_in_dim3A_87 = vector.shape_cast %reduce_sum3A_86 : vector<256xi32> to vector<256x1xi32>
      %lt3A_88 = vector.broadcast %iota3A_43 : vector<1x16xi32> to vector<256x16xi32>
      %lt3A_89 = vector.broadcast %broadcast_in_dim3A_87 : vector<256x1xi32> to vector<256x16xi32>
      %lt3A_90 = arith.cmpi slt, %lt3A_88, %lt3A_89 : vector<256x16xi32>
      %eq3A_91 = vector.broadcast %iota3A_43 : vector<1x16xi32> to vector<256x16xi32>
      %eq3A_92 = vector.broadcast %broadcast_in_dim3A_87 : vector<256x1xi32> to vector<256x16xi32>
      %eq3A_93 = arith.cmpi eq, %eq3A_91, %eq3A_92 : vector<256x16xi32>
      %slice3A_94 = vector.extract_strided_slice %while3A_60 {offsets = [0, 0], sizes = [256, 1], strides = [1, 1]} : vector<256x16xf32> to vector<256x1xf32>
      %slice3A_95 = vector.extract_strided_slice %while3A_60 {offsets = [0, 0], sizes = [256, 15], strides = [1, 1]} : vector<256x16xf32> to vector<256x15xf32>
      %concatenate3A = tpu.concatenate %slice3A_94, %slice3A_95 in 1 : vector<256x1xf32>, vector<256x15xf32> -> vector<256x16xf32>
      %broadcast_in_dim3A_96 = vector.shape_cast %broadcast_in_dim3A_64 : vector<256x1xf32> to vector<256x1xf32>
      %broadcast_in_dim3A_97 = vector.broadcast %broadcast_in_dim3A_96 : vector<256x1xf32> to vector<256x16xf32>
      %select_n3A_98 = arith.select %eq3A_93, %broadcast_in_dim3A_97, %concatenate3A : vector<256x16xi1>, vector<256x16xf32>
      %select_n3A_99 = arith.select %lt3A_90, %while3A_60, %select_n3A_98 : vector<256x16xi1>, vector<256x16xf32>
      %broadcast_in_dim3A_100 = vector.shape_cast %lt3A_82 : vector<256x1xi1> to vector<256x1xi1>
      %broadcast_in_dim3A_101 = vector.broadcast %broadcast_in_dim3A_100 : vector<256x1xi1> to vector<256x16xi1>
      %select_n3A_102 = arith.select %broadcast_in_dim3A_101, %select_n3A_99, %while3A_60 : vector<256x16xi1>, vector<256x16xf32>
      %add3A_103 = vector.broadcast %mul3A_14 : i32 to vector<256x1xi32>
      %add3A_104 = arith.addi %shift_right_arithmetic3A_79, %add3A_103 : vector<256x1xi32>
      %slice3A_105 = vector.extract_strided_slice %while3A_61 {offsets = [0, 0], sizes = [256, 1], strides = [1, 1]} : vector<256x16xi32> to vector<256x1xi32>
      %slice3A_106 = vector.extract_strided_slice %while3A_61 {offsets = [0, 0], sizes = [256, 15], strides = [1, 1]} : vector<256x16xi32> to vector<256x15xi32>
      %concatenate3A_107 = tpu.concatenate %slice3A_105, %slice3A_106 in 1 : vector<256x1xi32>, vector<256x15xi32> -> vector<256x16xi32>
      %broadcast_in_dim3A_108 = vector.shape_cast %add3A_104 : vector<256x1xi32> to vector<256x1xi32>
      %broadcast_in_dim3A_109 = vector.broadcast %broadcast_in_dim3A_108 : vector<256x1xi32> to vector<256x16xi32>
      %select_n3A_110 = arith.select %eq3A_93, %broadcast_in_dim3A_109, %concatenate3A_107 : vector<256x16xi1>, vector<256x16xi32>
      %select_n3A_111 = arith.select %lt3A_90, %while3A_61, %select_n3A_110 : vector<256x16xi1>, vector<256x16xi32>
      %broadcast_in_dim3A_112 = vector.shape_cast %lt3A_82 : vector<256x1xi1> to vector<256x1xi1>
      %broadcast_in_dim3A_113 = vector.broadcast %broadcast_in_dim3A_112 : vector<256x1xi1> to vector<256x16xi1>
      %select_n3A_114 = arith.select %broadcast_in_dim3A_113, %select_n3A_111, %while3A_61 : vector<256x16xi1>, vector<256x16xi32>
      %slice3A_115 = vector.extract_strided_slice %while3A_62 {offsets = [0, 0], sizes = [256, 1], strides = [1, 1]} : vector<256x16xi32> to vector<256x1xi32>
      %slice3A_116 = vector.extract_strided_slice %while3A_62 {offsets = [0, 0], sizes = [256, 15], strides = [1, 1]} : vector<256x16xi32> to vector<256x15xi32>
      %concatenate3A_117 = tpu.concatenate %slice3A_115, %slice3A_116 in 1 : vector<256x1xi32>, vector<256x15xi32> -> vector<256x16xi32>
      %broadcast_in_dim3A_118 = vector.shape_cast %and3A_81 : vector<256x1xi32> to vector<256x1xi32>
      %broadcast_in_dim3A_119 = vector.broadcast %broadcast_in_dim3A_118 : vector<256x1xi32> to vector<256x16xi32>
      %select_n3A_120 = arith.select %eq3A_93, %broadcast_in_dim3A_119, %concatenate3A_117 : vector<256x16xi1>, vector<256x16xi32>
      %select_n3A_121 = arith.select %lt3A_90, %while3A_62, %select_n3A_120 : vector<256x16xi1>, vector<256x16xi32>
      %broadcast_in_dim3A_122 = vector.shape_cast %lt3A_82 : vector<256x1xi1> to vector<256x1xi1>
      %broadcast_in_dim3A_123 = vector.broadcast %broadcast_in_dim3A_122 : vector<256x1xi1> to vector<256x16xi1>
      %select_n3A_124 = arith.select %broadcast_in_dim3A_123, %select_n3A_121, %while3A_62 : vector<256x16xi1>, vector<256x16xi32>
      %add3A_125 = arith.constant 1 : i32
      %add3A_126 = arith.addi %while3A_58, %add3A_125 : i32
      scf.yield %add3A_126, %select_n3A_77, %select_n3A_102, %select_n3A_114, %select_n3A_124 : i32, vector<256x1024xf32>, vector<256x16xf32>, vector<256x16xi32>, vector<256x16xi32>
    }
    %gt3A = arith.constant 0 : i32
    %gt3A_54 = arith.cmpi sgt, %convert_element_type3A_42, %gt3A : i32
    %convert_element_type3A_55 = arith.extui %gt3A_54 : i1 to i32
    %cond3A_56 = arith.constant 0 : i32
    %cond3A_57 = arith.cmpi ne, %convert_element_type3A_55, %cond3A_56 : i32
    scf.if %cond3A_57 {
      %swap3A = arith.constant 0 : index
      %swap3A_58 = arith.constant 0 : index
      %swap3A_59 = vector.load %arg4[%swap3A, %swap3A_58] : memref<256x16xf32, #tpu.memory_space<vmem>>, vector<256x16xf32>
      tpu.vector_store %arg4[%swap3A, %swap3A_58], %while3A_53#2 {strides = array<i32>} : memref<256x16xf32, #tpu.memory_space<vmem>>, vector<256x16xf32>,
      %swap3A_60 = arith.constant 0 : index
      %swap3A_61 = arith.constant 0 : index
      %swap3A_62 = vector.load %arg5[%swap3A_60, %swap3A_61] : memref<256x16xi32, #tpu.memory_space<vmem>>, vector<256x16xi32>
      tpu.vector_store %arg5[%swap3A_60, %swap3A_61], %while3A_53#3 {strides = array<i32>} : memref<256x16xi32, #tpu.memory_space<vmem>>, vector<256x16xi32>,
      %swap3A_63 = arith.constant 0 : index
      %swap3A_64 = arith.constant 0 : index
      %swap3A_65 = vector.load %arg6[%swap3A_63, %swap3A_64] : memref<256x16xi32, #tpu.memory_space<vmem>>, vector<256x16xi32>
      tpu.vector_store %arg6[%swap3A_63, %swap3A_64], %while3A_53#4 {strides = array<i32>} : memref<256x16xi32, #tpu.memory_space<vmem>>, vector<256x16xi32>,
    } else {
    }
    return
  }
  func.func @transform_0(%arg0: i32) -> (i32, i32) {
    %c0_i32 = arith.constant 0 : i32
    %c0_i32_0 = arith.constant 0 : i32
    %c0_i32_1 = arith.constant 0 : i32
    return %c0_i32, %c0_i32_0 : i32, i32
  }
  func.func @transform_1(%arg0: i32) -> (i32, i32) {
    %c0_i32 = arith.constant 0 : i32
    %c0_i32_0 = arith.constant 0 : i32
    return %c0_i32, %arg0 : i32, i32
  }
  func.func @transform_2(%arg0: i32) -> (i32, i32, i32) {
    %c0_i32 = arith.constant 0 : i32
    %c0_i32_0 = arith.constant 0 : i32
    %c0_i32_1 = arith.constant 0 : i32
    return %arg0, %c0_i32, %c0_i32_0 : i32, i32, i32
  }
  func.func @transform_3(%arg0: i32) -> (i32, i32) {
    %c0_i32 = arith.constant 0 : i32
    %c0_i32_0 = arith.constant 0 : i32
    %c0_i32_1 = arith.constant 0 : i32
    return %c0_i32, %c0_i32_0 : i32, i32
  }
  func.func @transform_4(%arg0: i32) -> (i32, i32) {
    %c0_i32 = arith.constant 0 : i32
    %c0_i32_0 = arith.constant 0 : i32
    %c0_i32_1 = arith.constant 0 : i32
    return %c0_i32, %c0_i32_0 : i32, i32
  }
  func.func @transform_5(%arg0: i32) -> (i32, i32) {
    %c0_i32 = arith.constant 0 : i32
    %c0_i32_0 = arith.constant 0 : i32
    %c0_i32_1 = arith.constant 0 : i32
    return %c0_i32, %c0_i32_0 : i32, i32
  }
}

module attributes {stable_mosaic.version = 14 : i64} {
  func.func @_vocab_body(%arg0: i32, %arg1: memref<16x128xf32, #tpu.memory_space<vmem>>, %arg2: memref<16x32000xf32, #tpu.memory_space<vmem>>, %arg3: memref<16x16xf32, #tpu.memory_space<vmem>>, %arg4: memref<16x16x128xf32, #tpu.memory_space<vmem>>, %arg5: memref<16x16xi32, #tpu.memory_space<vmem>>, %arg6: memref<1x256xf32, #tpu.memory_space<vmem>>, %arg7: memref<1x1xf32, #tpu.memory_space<vmem>>, %arg8: memref<128x256xf32, #tpu.memory_space<vmem>>, %arg9: memref<1x128xf32, #tpu.memory_space<vmem>>, %arg10: memref<1x128xf32, #tpu.memory_space<vmem>>, %arg11: memref<1x1xf32, #tpu.memory_space<vmem>>, %arg12: memref<16x32000xf32, #tpu.memory_space<vmem>>) attributes {dimension_semantics = [#tpu.dimension_semantics<arbitrary>], iteration_bounds = array<i64: 16>, scalar_prefetch = 0 : i64, scratch_operands = 0 : i64, tpu.core_type = #tpu.core_type<tc>, window_params = [{transform_indices = @transform_0, window_bounds = array<i64: 16, 128>}, {transform_indices = @transform_1, window_bounds = array<i64: 16, 32000>}, {transform_indices = @transform_2, window_bounds = array<i64: 16, 16>}, {transform_indices = @transform_3, window_bounds = array<i64: 16, 16, 128>}, {transform_indices = @transform_4, window_bounds = array<i64: 16, 16>}, {pipeline_mode = #tpu.pipeline_mode<synchronous>, transform_indices = @transform_5, window_bounds = array<i64: 1, 256>}, {pipeline_mode = #tpu.pipeline_mode<synchronous>, transform_indices = @transform_6, window_bounds = array<i64: 1, 1>}, {pipeline_mode = #tpu.pipeline_mode<synchronous>, transform_indices = @transform_7, window_bounds = array<i64: 128, 256>}, {pipeline_mode = #tpu.pipeline_mode<synchronous>, transform_indices = @transform_8, window_bounds = array<i64: 1, 128>}, {pipeline_mode = #tpu.pipeline_mode<synchronous>, transform_indices = @transform_9, window_bounds = array<i64: 1, 128>}, {pipeline_mode = #tpu.pipeline_mode<synchronous>, transform_indices = @transform_10, window_bounds = array<i64: 1, 1>}, {transform_indices = @transform_11, window_bounds = array<i64: 16, 32000>}]} {
    %get3A = arith.constant 0 : index
    %get3A_0 = arith.constant 0 : index
    %get3A_1 = vector.load %arg1[%get3A, %get3A_0] : memref<16x128xf32, #tpu.memory_space<vmem>>, vector<16x128xf32>
    %get3A_2 = arith.constant 0 : index
    %get3A_3 = arith.constant 0 : index
    %get3A_4 = arith.constant 0 : index
    %get3A_5 = vector.load %arg4[%get3A_2, %get3A_3, %get3A_4] : memref<16x16x128xf32, #tpu.memory_space<vmem>>, vector<16x16x128xf32>
    %get3A_6 = arith.constant 0 : index
    %get3A_7 = arith.constant 0 : index
    %get3A_8 = vector.load %arg6[%get3A_6, %get3A_7] : memref<1x256xf32, #tpu.memory_space<vmem>>, vector<1x256xf32>
    %reduce_sum3A = arith.constant dense<0.000000e+00> : vector<16x128xf32>
    %reduce_sum3A_9 = vector.multi_reduction <add>, %get3A_5, %reduce_sum3A [1] : vector<16x16x128xf32> to vector<16x128xf32>
    %div3A = arith.constant 1.600000e+01 : f32
    %div3A_10 = vector.broadcast %div3A : f32 to vector<16x128xf32>
    %div3A_11 = arith.divf %reduce_sum3A_9, %div3A_10 : vector<16x128xf32>
    %slice3A = vector.extract_strided_slice %get3A_8 {offsets = [0, 0], sizes = [1, 128], strides = [1, 1]} : vector<1x256xf32> to vector<1x128xf32>
    %mul3A = vector.broadcast %slice3A : vector<1x128xf32> to vector<16x128xf32>
    %mul3A_12 = arith.mulf %get3A_1, %mul3A : vector<16x128xf32>
    %reduce_sum3A_13 = arith.constant dense<0.000000e+00> : vector<16xf32>
    %reduce_sum3A_14 = vector.multi_reduction <add>, %mul3A_12, %reduce_sum3A_13 [1] : vector<16x128xf32> to vector<16xf32>
    %broadcast_in_dim3A = vector.shape_cast %reduce_sum3A_14 : vector<16xf32> to vector<16x1xf32>
    %slice3A_15 = vector.extract_strided_slice %get3A_8 {offsets = [0, 128], sizes = [1, 128], strides = [1, 1]} : vector<1x256xf32> to vector<1x128xf32>
    %mul3A_16 = vector.broadcast %slice3A_15 : vector<1x128xf32> to vector<16x128xf32>
    %mul3A_17 = arith.mulf %div3A_11, %mul3A_16 : vector<16x128xf32>
    %reduce_sum3A_18 = arith.constant dense<0.000000e+00> : vector<16xf32>
    %reduce_sum3A_19 = vector.multi_reduction <add>, %mul3A_17, %reduce_sum3A_18 [1] : vector<16x128xf32> to vector<16xf32>
    %broadcast_in_dim3A_20 = vector.shape_cast %reduce_sum3A_19 : vector<16xf32> to vector<16x1xf32>
    %add3A = arith.addf %broadcast_in_dim3A, %broadcast_in_dim3A_20 : vector<16x1xf32>
    %get3A_21 = arith.constant 0 : index
    %get3A_22 = arith.constant 0 : index
    %get3A_23 = vector.load %arg7[%get3A_21, %get3A_22] : memref<1x1xf32, #tpu.memory_space<vmem>>, vector<1x1xf32>
    %add3A_24 = vector.broadcast %get3A_23 : vector<1x1xf32> to vector<16x1xf32>
    %add3A_25 = arith.addf %add3A, %add3A_24 : vector<16x1xf32>
    %exp3A = math.exp %add3A_25 : vector<16x1xf32>
    %get3A_26 = arith.constant 0 : index
    %get3A_27 = arith.constant 0 : index
    %get3A_28 = vector.load %arg3[%get3A_26, %get3A_27] : memref<16x16xf32, #tpu.memory_space<vmem>>, vector<16x16xf32>
    %neg3A = arith.constant 0.000000e+00 : f32
    %neg3A_29 = vector.broadcast %neg3A : f32 to vector<16x16xf32>
    %neg3A_30 = arith.subf %neg3A_29, %get3A_28 : vector<16x16xf32>
    %div3A_31 = vector.broadcast %exp3A : vector<16x1xf32> to vector<16x16xf32>
    %div3A_32 = arith.divf %neg3A_30, %div3A_31 : vector<16x16xf32>
    %reduce_max3A = arith.constant dense<0xFF800000> : vector<16xf32>
    %reduce_max3A_33 = vector.multi_reduction <maximumf>, %div3A_32, %reduce_max3A [1] : vector<16x16xf32> to vector<16xf32>
    %broadcast_in_dim3A_34 = vector.shape_cast %reduce_max3A_33 : vector<16xf32> to vector<16x1xf32>
    %sub3A = vector.broadcast %broadcast_in_dim3A_34 : vector<16x1xf32> to vector<16x16xf32>
    %sub3A_35 = arith.subf %div3A_32, %sub3A : vector<16x16xf32>
    %exp3A_36 = math.exp %sub3A_35 : vector<16x16xf32>
    %reduce_sum3A_37 = arith.constant dense<0.000000e+00> : vector<16xf32>
    %reduce_sum3A_38 = vector.multi_reduction <add>, %exp3A_36, %reduce_sum3A_37 [1] : vector<16x16xf32> to vector<16xf32>
    %broadcast_in_dim3A_39 = vector.shape_cast %reduce_sum3A_38 : vector<16xf32> to vector<16x1xf32>
    %div3A_40 = vector.broadcast %broadcast_in_dim3A_39 : vector<16x1xf32> to vector<16x16xf32>
    %div3A_41 = arith.divf %exp3A_36, %div3A_40 : vector<16x16xf32>
    %broadcast_in_dim3A_42 = vector.shape_cast %div3A_41 : vector<16x16xf32> to vector<16x16x1xf32>
    %mul3A_43 = vector.broadcast %broadcast_in_dim3A_42 : vector<16x16x1xf32> to vector<16x16x128xf32>
    %mul3A_44 = arith.mulf %get3A_5, %mul3A_43 : vector<16x16x128xf32>
    %reduce_sum3A_45 = arith.constant dense<0.000000e+00> : vector<16x128xf32>
    %reduce_sum3A_46 = vector.multi_reduction <add>, %mul3A_44, %reduce_sum3A_45 [1] : vector<16x16x128xf32> to vector<16x128xf32>
    %get3A_47 = arith.constant 0 : index
    %get3A_48 = arith.constant 0 : index
    %get3A_49 = vector.load %arg8[%get3A_47, %get3A_48] : memref<128x256xf32, #tpu.memory_space<vmem>>, vector<128x256xf32>
    %slice3A_50 = vector.extract_strided_slice %get3A_49 {offsets = [0, 0], sizes = [128, 128], strides = [1, 1]} : vector<128x256xf32> to vector<128x128xf32>
    %dot_general3A = arith.constant dense<0.000000e+00> : vector<16x128xf32>
    %dot_general3A_51 = tpu.matmul %get3A_1, %slice3A_50, %dot_general3A {dimension_numbers = #tpu.dot_dimension_numbers<[1], [1], [0], [0], [0, 0, 1, 0], [], []>, transpose_lhs_hint = false} : vector<16x128xf32>, vector<128x128xf32>, vector<16x128xf32> -> vector<16x128xf32>
    %slice3A_52 = vector.extract_strided_slice %get3A_49 {offsets = [0, 128], sizes = [128, 128], strides = [1, 1]} : vector<128x256xf32> to vector<128x128xf32>
    %dot_general3A_53 = arith.constant dense<0.000000e+00> : vector<16x128xf32>
    %dot_general3A_54 = tpu.matmul %reduce_sum3A_46, %slice3A_52, %dot_general3A_53 {dimension_numbers = #tpu.dot_dimension_numbers<[1], [1], [0], [0], [0, 0, 1, 0], [], []>, transpose_lhs_hint = false} : vector<16x128xf32>, vector<128x128xf32>, vector<16x128xf32> -> vector<16x128xf32>
    %add3A_55 = arith.addf %dot_general3A_51, %dot_general3A_54 : vector<16x128xf32>
    %get3A_56 = arith.constant 0 : index
    %get3A_57 = arith.constant 0 : index
    %get3A_58 = vector.load %arg9[%get3A_56, %get3A_57] : memref<1x128xf32, #tpu.memory_space<vmem>>, vector<1x128xf32>
    %add3A_59 = vector.broadcast %get3A_58 : vector<1x128xf32> to vector<16x128xf32>
    %add3A_60 = arith.addf %add3A_55, %add3A_59 : vector<16x128xf32>
    %max3A = arith.constant 0.000000e+00 : f32
    %max3A_61 = vector.broadcast %max3A : f32 to vector<16x128xf32>
    %max3A_62 = arith.maximumf %add3A_60, %max3A_61 : vector<16x128xf32>
    %get3A_63 = arith.constant 0 : index
    %get3A_64 = arith.constant 0 : index
    %get3A_65 = vector.load %arg10[%get3A_63, %get3A_64] : memref<1x128xf32, #tpu.memory_space<vmem>>, vector<1x128xf32>
    %mul3A_66 = vector.broadcast %get3A_65 : vector<1x128xf32> to vector<16x128xf32>
    %mul3A_67 = arith.mulf %max3A_62, %mul3A_66 : vector<16x128xf32>
    %reduce_sum3A_68 = arith.constant dense<0.000000e+00> : vector<16xf32>
    %reduce_sum3A_69 = vector.multi_reduction <add>, %mul3A_67, %reduce_sum3A_68 [1] : vector<16x128xf32> to vector<16xf32>
    %broadcast_in_dim3A_70 = vector.shape_cast %reduce_sum3A_69 : vector<16xf32> to vector<16x1xf32>
    %get3A_71 = arith.constant 0 : index
    %get3A_72 = arith.constant 0 : index
    %get3A_73 = vector.load %arg11[%get3A_71, %get3A_72] : memref<1x1xf32, #tpu.memory_space<vmem>>, vector<1x1xf32>
    %add3A_74 = vector.broadcast %get3A_73 : vector<1x1xf32> to vector<16x1xf32>
    %add3A_75 = arith.addf %broadcast_in_dim3A_70, %add3A_74 : vector<16x1xf32>
    %logistic3A = arith.negf %add3A_75 : vector<16x1xf32>
    %logistic3A_76 = math.exp %logistic3A : vector<16x1xf32>
    %logistic3A_77 = arith.constant 1.000000e+00 : f32
    %logistic3A_78 = vector.broadcast %logistic3A_77 : f32 to vector<16x1xf32>
    %logistic3A_79 = arith.addf %logistic3A_78, %logistic3A_76 : vector<16x1xf32>
    %logistic3A_80 = arith.divf %logistic3A_78, %logistic3A_79 : vector<16x1xf32>
    %get3A_81 = arith.constant 0 : index
    %get3A_82 = arith.constant 0 : index
    %get3A_83 = vector.load %arg2[%get3A_81, %get3A_82] : memref<16x32000xf32, #tpu.memory_space<vmem>>, vector<16x32000xf32>
    %reduce_max3A_84 = arith.constant dense<0xFF800000> : vector<16xf32>
    %reduce_max3A_85 = vector.multi_reduction <maximumf>, %get3A_83, %reduce_max3A_84 [1] : vector<16x32000xf32> to vector<16xf32>
    %broadcast_in_dim3A_86 = vector.shape_cast %reduce_max3A_85 : vector<16xf32> to vector<16x1xf32>
    %sub3A_87 = vector.broadcast %broadcast_in_dim3A_86 : vector<16x1xf32> to vector<16x32000xf32>
    %sub3A_88 = arith.subf %get3A_83, %sub3A_87 : vector<16x32000xf32>
    %exp3A_89 = math.exp %sub3A_88 : vector<16x32000xf32>
    %reduce_sum3A_90 = arith.constant dense<0.000000e+00> : vector<16xf32>
    %reduce_sum3A_91 = vector.multi_reduction <add>, %exp3A_89, %reduce_sum3A_90 [1] : vector<16x32000xf32> to vector<16xf32>
    %broadcast_in_dim3A_92 = vector.shape_cast %reduce_sum3A_91 : vector<16xf32> to vector<16x1xf32>
    %sub3A_93 = arith.constant 1.000000e+00 : f32
    %sub3A_94 = vector.broadcast %sub3A_93 : f32 to vector<16x1xf32>
    %sub3A_95 = arith.subf %sub3A_94, %logistic3A_80 : vector<16x1xf32>
    %div3A_96 = arith.divf %sub3A_95, %broadcast_in_dim3A_92 : vector<16x1xf32>
    %mul3A_97 = vector.broadcast %div3A_96 : vector<16x1xf32> to vector<16x32000xf32>
    %mul3A_98 = arith.mulf %exp3A_89, %mul3A_97 : vector<16x32000xf32>
    %iota3A = tpu.iota {dimensions = array<i32: 1>} : vector<16x32000xi32>
    %get3A_99 = arith.constant 0 : index
    %get3A_100 = arith.constant 0 : index
    %get3A_101 = vector.load %arg5[%get3A_99, %get3A_100] : memref<16x16xi32, #tpu.memory_space<vmem>>, vector<16x16xi32>
    %mul3A_102 = vector.broadcast %logistic3A_80 : vector<16x1xf32> to vector<16x16xf32>
    %mul3A_103 = arith.mulf %div3A_41, %mul3A_102 : vector<16x16xf32>
    %iota3A_104 = tpu.iota {dimensions = array<i32: 1>} : vector<16x16xi32>
    %reduce_max3A_105 = vector.shape_cast %iota3A_104 : vector<16x16xi32> to vector<1x16x16xi32>
    %reduce_max3A_106 = arith.constant dense<-2147483648> : vector<1xi32>
    %reduce_max3A_107 = vector.multi_reduction <maxsi>, %reduce_max3A_105, %reduce_max3A_106 [1, 2] : vector<1x16x16xi32> to vector<1xi32>
    %reduce_max3A_108 = vector.shape_cast %reduce_max3A_107 : vector<1xi32> to vector<1x1x1xi32>
    %reduce_max3A_109 = vector.extract %reduce_max3A_108[0, 0, 0] : i32 from vector<1x1x1xi32>
    %add3A_110 = arith.constant 1 : i32
    %add3A_111 = arith.addi %reduce_max3A_109, %add3A_110 : i32
    %min3A = arith.constant 16 : i32
    %min3A_112 = arith.minsi %add3A_111, %min3A : i32
    %while3A = arith.constant 0 : i32
    %while3A_113:2 = scf.while (%while3A_116 = %while3A, %while3A_117 = %mul3A_98) : (i32, vector<16x32000xf32>) -> (i32, vector<16x32000xf32>) {
      %lt3A = arith.cmpi slt, %while3A_116, %min3A_112 : i32
      scf.condition(%lt3A) %while3A_116, %while3A_117 : i32, vector<16x32000xf32>
    } do {
    ^bb0(%while3A_116: i32, %while3A_117: vector<16x32000xf32>):
      %add3A_118 = arith.constant 0 : i32
      %add3A_119 = arith.addi %while3A_116, %add3A_118 : i32
      %eq3A = vector.broadcast %add3A_119 : i32 to vector<16x16xi32>
      %eq3A_120 = arith.cmpi eq, %iota3A_104, %eq3A : vector<16x16xi32>
      %jit3A = arith.constant 0 : i32
      %broadcast_in_dim3A_121 = vector.broadcast %jit3A : i32 to vector<16x16xi32>
      %select_n3A = arith.select %eq3A_120, %get3A_101, %broadcast_in_dim3A_121 : vector<16x16xi1>, vector<16x16xi32>
      %reduce_max3A_122 = arith.constant dense<-2147483648> : vector<16xi32>
      %reduce_max3A_123 = vector.multi_reduction <maxsi>, %select_n3A, %reduce_max3A_122 [1] : vector<16x16xi32> to vector<16xi32>
      %broadcast_in_dim3A_124 = vector.shape_cast %reduce_max3A_123 : vector<16xi32> to vector<16x1xi32>
      %jit3A_125 = arith.constant 0.000000e+00 : f32
      %broadcast_in_dim3A_126 = vector.broadcast %jit3A_125 : f32 to vector<16x16xf32>
      %select_n3A_127 = arith.select %eq3A_120, %mul3A_103, %broadcast_in_dim3A_126 : vector<16x16xi1>, vector<16x16xf32>
      %reduce_max3A_128 = arith.constant dense<0xFF800000> : vector<16xf32>
      %reduce_max3A_129 = vector.multi_reduction <maximumf>, %select_n3A_127, %reduce_max3A_128 [1] : vector<16x16xf32> to vector<16xf32>
      %broadcast_in_dim3A_130 = vector.shape_cast %reduce_max3A_129 : vector<16xf32> to vector<16x1xf32>
      %eq3A_131 = vector.broadcast %broadcast_in_dim3A_124 : vector<16x1xi32> to vector<16x32000xi32>
      %eq3A_132 = arith.cmpi eq, %iota3A, %eq3A_131 : vector<16x32000xi32>
      %jit3A_133 = arith.constant 0.000000e+00 : f32
      %broadcast_in_dim3A_134 = vector.shape_cast %broadcast_in_dim3A_130 : vector<16x1xf32> to vector<16x1xf32>
      %broadcast_in_dim3A_135 = vector.broadcast %broadcast_in_dim3A_134 : vector<16x1xf32> to vector<16x32000xf32>
      %broadcast_in_dim3A_136 = vector.broadcast %jit3A_133 : f32 to vector<16x32000xf32>
      %select_n3A_137 = arith.select %eq3A_132, %broadcast_in_dim3A_135, %broadcast_in_dim3A_136 : vector<16x32000xi1>, vector<16x32000xf32>
      %add3A_138 = arith.addf %while3A_117, %select_n3A_137 : vector<16x32000xf32>
      %add3A_139 = arith.constant 1 : i32
      %add3A_140 = arith.addi %while3A_116, %add3A_139 : i32
      %eq3A_141 = vector.broadcast %add3A_140 : i32 to vector<16x16xi32>
      %eq3A_142 = arith.cmpi eq, %iota3A_104, %eq3A_141 : vector<16x16xi32>
      %jit3A_143 = arith.constant 0 : i32
      %broadcast_in_dim3A_144 = vector.broadcast %jit3A_143 : i32 to vector<16x16xi32>
      %select_n3A_145 = arith.select %eq3A_142, %get3A_101, %broadcast_in_dim3A_144 : vector<16x16xi1>, vector<16x16xi32>
      %reduce_max3A_146 = arith.constant dense<-2147483648> : vector<16xi32>
      %reduce_max3A_147 = vector.multi_reduction <maxsi>, %select_n3A_145, %reduce_max3A_146 [1] : vector<16x16xi32> to vector<16xi32>
      %broadcast_in_dim3A_148 = vector.shape_cast %reduce_max3A_147 : vector<16xi32> to vector<16x1xi32>
      %jit3A_149 = arith.constant 0.000000e+00 : f32
      %broadcast_in_dim3A_150 = vector.broadcast %jit3A_149 : f32 to vector<16x16xf32>
      %select_n3A_151 = arith.select %eq3A_142, %mul3A_103, %broadcast_in_dim3A_150 : vector<16x16xi1>, vector<16x16xf32>
      %reduce_max3A_152 = arith.constant dense<0xFF800000> : vector<16xf32>
      %reduce_max3A_153 = vector.multi_reduction <maximumf>, %select_n3A_151, %reduce_max3A_152 [1] : vector<16x16xf32> to vector<16xf32>
      %broadcast_in_dim3A_154 = vector.shape_cast %reduce_max3A_153 : vector<16xf32> to vector<16x1xf32>
      %eq3A_155 = vector.broadcast %broadcast_in_dim3A_148 : vector<16x1xi32> to vector<16x32000xi32>
      %eq3A_156 = arith.cmpi eq, %iota3A, %eq3A_155 : vector<16x32000xi32>
      %jit3A_157 = arith.constant 0.000000e+00 : f32
      %broadcast_in_dim3A_158 = vector.shape_cast %broadcast_in_dim3A_154 : vector<16x1xf32> to vector<16x1xf32>
      %broadcast_in_dim3A_159 = vector.broadcast %broadcast_in_dim3A_158 : vector<16x1xf32> to vector<16x32000xf32>
      %broadcast_in_dim3A_160 = vector.broadcast %jit3A_157 : f32 to vector<16x32000xf32>
      %select_n3A_161 = arith.select %eq3A_156, %broadcast_in_dim3A_159, %broadcast_in_dim3A_160 : vector<16x32000xi1>, vector<16x32000xf32>
      %add3A_162 = arith.addf %add3A_138, %select_n3A_161 : vector<16x32000xf32>
      %add3A_163 = arith.constant 2 : i32
      %add3A_164 = arith.addi %while3A_116, %add3A_163 : i32
      %eq3A_165 = vector.broadcast %add3A_164 : i32 to vector<16x16xi32>
      %eq3A_166 = arith.cmpi eq, %iota3A_104, %eq3A_165 : vector<16x16xi32>
      %jit3A_167 = arith.constant 0 : i32
      %broadcast_in_dim3A_168 = vector.broadcast %jit3A_167 : i32 to vector<16x16xi32>
      %select_n3A_169 = arith.select %eq3A_166, %get3A_101, %broadcast_in_dim3A_168 : vector<16x16xi1>, vector<16x16xi32>
      %reduce_max3A_170 = arith.constant dense<-2147483648> : vector<16xi32>
      %reduce_max3A_171 = vector.multi_reduction <maxsi>, %select_n3A_169, %reduce_max3A_170 [1] : vector<16x16xi32> to vector<16xi32>
      %broadcast_in_dim3A_172 = vector.shape_cast %reduce_max3A_171 : vector<16xi32> to vector<16x1xi32>
      %jit3A_173 = arith.constant 0.000000e+00 : f32
      %broadcast_in_dim3A_174 = vector.broadcast %jit3A_173 : f32 to vector<16x16xf32>
      %select_n3A_175 = arith.select %eq3A_166, %mul3A_103, %broadcast_in_dim3A_174 : vector<16x16xi1>, vector<16x16xf32>
      %reduce_max3A_176 = arith.constant dense<0xFF800000> : vector<16xf32>
      %reduce_max3A_177 = vector.multi_reduction <maximumf>, %select_n3A_175, %reduce_max3A_176 [1] : vector<16x16xf32> to vector<16xf32>
      %broadcast_in_dim3A_178 = vector.shape_cast %reduce_max3A_177 : vector<16xf32> to vector<16x1xf32>
      %eq3A_179 = vector.broadcast %broadcast_in_dim3A_172 : vector<16x1xi32> to vector<16x32000xi32>
      %eq3A_180 = arith.cmpi eq, %iota3A, %eq3A_179 : vector<16x32000xi32>
      %jit3A_181 = arith.constant 0.000000e+00 : f32
      %broadcast_in_dim3A_182 = vector.shape_cast %broadcast_in_dim3A_178 : vector<16x1xf32> to vector<16x1xf32>
      %broadcast_in_dim3A_183 = vector.broadcast %broadcast_in_dim3A_182 : vector<16x1xf32> to vector<16x32000xf32>
      %broadcast_in_dim3A_184 = vector.broadcast %jit3A_181 : f32 to vector<16x32000xf32>
      %select_n3A_185 = arith.select %eq3A_180, %broadcast_in_dim3A_183, %broadcast_in_dim3A_184 : vector<16x32000xi1>, vector<16x32000xf32>
      %add3A_186 = arith.addf %add3A_162, %select_n3A_185 : vector<16x32000xf32>
      %add3A_187 = arith.constant 3 : i32
      %add3A_188 = arith.addi %while3A_116, %add3A_187 : i32
      %eq3A_189 = vector.broadcast %add3A_188 : i32 to vector<16x16xi32>
      %eq3A_190 = arith.cmpi eq, %iota3A_104, %eq3A_189 : vector<16x16xi32>
      %jit3A_191 = arith.constant 0 : i32
      %broadcast_in_dim3A_192 = vector.broadcast %jit3A_191 : i32 to vector<16x16xi32>
      %select_n3A_193 = arith.select %eq3A_190, %get3A_101, %broadcast_in_dim3A_192 : vector<16x16xi1>, vector<16x16xi32>
      %reduce_max3A_194 = arith.constant dense<-2147483648> : vector<16xi32>
      %reduce_max3A_195 = vector.multi_reduction <maxsi>, %select_n3A_193, %reduce_max3A_194 [1] : vector<16x16xi32> to vector<16xi32>
      %broadcast_in_dim3A_196 = vector.shape_cast %reduce_max3A_195 : vector<16xi32> to vector<16x1xi32>
      %jit3A_197 = arith.constant 0.000000e+00 : f32
      %broadcast_in_dim3A_198 = vector.broadcast %jit3A_197 : f32 to vector<16x16xf32>
      %select_n3A_199 = arith.select %eq3A_190, %mul3A_103, %broadcast_in_dim3A_198 : vector<16x16xi1>, vector<16x16xf32>
      %reduce_max3A_200 = arith.constant dense<0xFF800000> : vector<16xf32>
      %reduce_max3A_201 = vector.multi_reduction <maximumf>, %select_n3A_199, %reduce_max3A_200 [1] : vector<16x16xf32> to vector<16xf32>
      %broadcast_in_dim3A_202 = vector.shape_cast %reduce_max3A_201 : vector<16xf32> to vector<16x1xf32>
      %eq3A_203 = vector.broadcast %broadcast_in_dim3A_196 : vector<16x1xi32> to vector<16x32000xi32>
      %eq3A_204 = arith.cmpi eq, %iota3A, %eq3A_203 : vector<16x32000xi32>
      %jit3A_205 = arith.constant 0.000000e+00 : f32
      %broadcast_in_dim3A_206 = vector.shape_cast %broadcast_in_dim3A_202 : vector<16x1xf32> to vector<16x1xf32>
      %broadcast_in_dim3A_207 = vector.broadcast %broadcast_in_dim3A_206 : vector<16x1xf32> to vector<16x32000xf32>
      %broadcast_in_dim3A_208 = vector.broadcast %jit3A_205 : f32 to vector<16x32000xf32>
      %select_n3A_209 = arith.select %eq3A_204, %broadcast_in_dim3A_207, %broadcast_in_dim3A_208 : vector<16x32000xi1>, vector<16x32000xf32>
      %add3A_210 = arith.addf %add3A_186, %select_n3A_209 : vector<16x32000xf32>
      %add3A_211 = arith.constant 4 : i32
      %add3A_212 = arith.addi %while3A_116, %add3A_211 : i32
      %eq3A_213 = vector.broadcast %add3A_212 : i32 to vector<16x16xi32>
      %eq3A_214 = arith.cmpi eq, %iota3A_104, %eq3A_213 : vector<16x16xi32>
      %jit3A_215 = arith.constant 0 : i32
      %broadcast_in_dim3A_216 = vector.broadcast %jit3A_215 : i32 to vector<16x16xi32>
      %select_n3A_217 = arith.select %eq3A_214, %get3A_101, %broadcast_in_dim3A_216 : vector<16x16xi1>, vector<16x16xi32>
      %reduce_max3A_218 = arith.constant dense<-2147483648> : vector<16xi32>
      %reduce_max3A_219 = vector.multi_reduction <maxsi>, %select_n3A_217, %reduce_max3A_218 [1] : vector<16x16xi32> to vector<16xi32>
      %broadcast_in_dim3A_220 = vector.shape_cast %reduce_max3A_219 : vector<16xi32> to vector<16x1xi32>
      %jit3A_221 = arith.constant 0.000000e+00 : f32
      %broadcast_in_dim3A_222 = vector.broadcast %jit3A_221 : f32 to vector<16x16xf32>
      %select_n3A_223 = arith.select %eq3A_214, %mul3A_103, %broadcast_in_dim3A_222 : vector<16x16xi1>, vector<16x16xf32>
      %reduce_max3A_224 = arith.constant dense<0xFF800000> : vector<16xf32>
      %reduce_max3A_225 = vector.multi_reduction <maximumf>, %select_n3A_223, %reduce_max3A_224 [1] : vector<16x16xf32> to vector<16xf32>
      %broadcast_in_dim3A_226 = vector.shape_cast %reduce_max3A_225 : vector<16xf32> to vector<16x1xf32>
      %eq3A_227 = vector.broadcast %broadcast_in_dim3A_220 : vector<16x1xi32> to vector<16x32000xi32>
      %eq3A_228 = arith.cmpi eq, %iota3A, %eq3A_227 : vector<16x32000xi32>
      %jit3A_229 = arith.constant 0.000000e+00 : f32
      %broadcast_in_dim3A_230 = vector.shape_cast %broadcast_in_dim3A_226 : vector<16x1xf32> to vector<16x1xf32>
      %broadcast_in_dim3A_231 = vector.broadcast %broadcast_in_dim3A_230 : vector<16x1xf32> to vector<16x32000xf32>
      %broadcast_in_dim3A_232 = vector.broadcast %jit3A_229 : f32 to vector<16x32000xf32>
      %select_n3A_233 = arith.select %eq3A_228, %broadcast_in_dim3A_231, %broadcast_in_dim3A_232 : vector<16x32000xi1>, vector<16x32000xf32>
      %add3A_234 = arith.addf %add3A_210, %select_n3A_233 : vector<16x32000xf32>
      %add3A_235 = arith.constant 5 : i32
      %add3A_236 = arith.addi %while3A_116, %add3A_235 : i32
      %eq3A_237 = vector.broadcast %add3A_236 : i32 to vector<16x16xi32>
      %eq3A_238 = arith.cmpi eq, %iota3A_104, %eq3A_237 : vector<16x16xi32>
      %jit3A_239 = arith.constant 0 : i32
      %broadcast_in_dim3A_240 = vector.broadcast %jit3A_239 : i32 to vector<16x16xi32>
      %select_n3A_241 = arith.select %eq3A_238, %get3A_101, %broadcast_in_dim3A_240 : vector<16x16xi1>, vector<16x16xi32>
      %reduce_max3A_242 = arith.constant dense<-2147483648> : vector<16xi32>
      %reduce_max3A_243 = vector.multi_reduction <maxsi>, %select_n3A_241, %reduce_max3A_242 [1] : vector<16x16xi32> to vector<16xi32>
      %broadcast_in_dim3A_244 = vector.shape_cast %reduce_max3A_243 : vector<16xi32> to vector<16x1xi32>
      %jit3A_245 = arith.constant 0.000000e+00 : f32
      %broadcast_in_dim3A_246 = vector.broadcast %jit3A_245 : f32 to vector<16x16xf32>
      %select_n3A_247 = arith.select %eq3A_238, %mul3A_103, %broadcast_in_dim3A_246 : vector<16x16xi1>, vector<16x16xf32>
      %reduce_max3A_248 = arith.constant dense<0xFF800000> : vector<16xf32>
      %reduce_max3A_249 = vector.multi_reduction <maximumf>, %select_n3A_247, %reduce_max3A_248 [1] : vector<16x16xf32> to vector<16xf32>
      %broadcast_in_dim3A_250 = vector.shape_cast %reduce_max3A_249 : vector<16xf32> to vector<16x1xf32>
      %eq3A_251 = vector.broadcast %broadcast_in_dim3A_244 : vector<16x1xi32> to vector<16x32000xi32>
      %eq3A_252 = arith.cmpi eq, %iota3A, %eq3A_251 : vector<16x32000xi32>
      %jit3A_253 = arith.constant 0.000000e+00 : f32
      %broadcast_in_dim3A_254 = vector.shape_cast %broadcast_in_dim3A_250 : vector<16x1xf32> to vector<16x1xf32>
      %broadcast_in_dim3A_255 = vector.broadcast %broadcast_in_dim3A_254 : vector<16x1xf32> to vector<16x32000xf32>
      %broadcast_in_dim3A_256 = vector.broadcast %jit3A_253 : f32 to vector<16x32000xf32>
      %select_n3A_257 = arith.select %eq3A_252, %broadcast_in_dim3A_255, %broadcast_in_dim3A_256 : vector<16x32000xi1>, vector<16x32000xf32>
      %add3A_258 = arith.addf %add3A_234, %select_n3A_257 : vector<16x32000xf32>
      %add3A_259 = arith.constant 6 : i32
      %add3A_260 = arith.addi %while3A_116, %add3A_259 : i32
      %eq3A_261 = vector.broadcast %add3A_260 : i32 to vector<16x16xi32>
      %eq3A_262 = arith.cmpi eq, %iota3A_104, %eq3A_261 : vector<16x16xi32>
      %jit3A_263 = arith.constant 0 : i32
      %broadcast_in_dim3A_264 = vector.broadcast %jit3A_263 : i32 to vector<16x16xi32>
      %select_n3A_265 = arith.select %eq3A_262, %get3A_101, %broadcast_in_dim3A_264 : vector<16x16xi1>, vector<16x16xi32>
      %reduce_max3A_266 = arith.constant dense<-2147483648> : vector<16xi32>
      %reduce_max3A_267 = vector.multi_reduction <maxsi>, %select_n3A_265, %reduce_max3A_266 [1] : vector<16x16xi32> to vector<16xi32>
      %broadcast_in_dim3A_268 = vector.shape_cast %reduce_max3A_267 : vector<16xi32> to vector<16x1xi32>
      %jit3A_269 = arith.constant 0.000000e+00 : f32
      %broadcast_in_dim3A_270 = vector.broadcast %jit3A_269 : f32 to vector<16x16xf32>
      %select_n3A_271 = arith.select %eq3A_262, %mul3A_103, %broadcast_in_dim3A_270 : vector<16x16xi1>, vector<16x16xf32>
      %reduce_max3A_272 = arith.constant dense<0xFF800000> : vector<16xf32>
      %reduce_max3A_273 = vector.multi_reduction <maximumf>, %select_n3A_271, %reduce_max3A_272 [1] : vector<16x16xf32> to vector<16xf32>
      %broadcast_in_dim3A_274 = vector.shape_cast %reduce_max3A_273 : vector<16xf32> to vector<16x1xf32>
      %eq3A_275 = vector.broadcast %broadcast_in_dim3A_268 : vector<16x1xi32> to vector<16x32000xi32>
      %eq3A_276 = arith.cmpi eq, %iota3A, %eq3A_275 : vector<16x32000xi32>
      %jit3A_277 = arith.constant 0.000000e+00 : f32
      %broadcast_in_dim3A_278 = vector.shape_cast %broadcast_in_dim3A_274 : vector<16x1xf32> to vector<16x1xf32>
      %broadcast_in_dim3A_279 = vector.broadcast %broadcast_in_dim3A_278 : vector<16x1xf32> to vector<16x32000xf32>
      %broadcast_in_dim3A_280 = vector.broadcast %jit3A_277 : f32 to vector<16x32000xf32>
      %select_n3A_281 = arith.select %eq3A_276, %broadcast_in_dim3A_279, %broadcast_in_dim3A_280 : vector<16x32000xi1>, vector<16x32000xf32>
      %add3A_282 = arith.addf %add3A_258, %select_n3A_281 : vector<16x32000xf32>
      %add3A_283 = arith.constant 7 : i32
      %add3A_284 = arith.addi %while3A_116, %add3A_283 : i32
      %eq3A_285 = vector.broadcast %add3A_284 : i32 to vector<16x16xi32>
      %eq3A_286 = arith.cmpi eq, %iota3A_104, %eq3A_285 : vector<16x16xi32>
      %jit3A_287 = arith.constant 0 : i32
      %broadcast_in_dim3A_288 = vector.broadcast %jit3A_287 : i32 to vector<16x16xi32>
      %select_n3A_289 = arith.select %eq3A_286, %get3A_101, %broadcast_in_dim3A_288 : vector<16x16xi1>, vector<16x16xi32>
      %reduce_max3A_290 = arith.constant dense<-2147483648> : vector<16xi32>
      %reduce_max3A_291 = vector.multi_reduction <maxsi>, %select_n3A_289, %reduce_max3A_290 [1] : vector<16x16xi32> to vector<16xi32>
      %broadcast_in_dim3A_292 = vector.shape_cast %reduce_max3A_291 : vector<16xi32> to vector<16x1xi32>
      %jit3A_293 = arith.constant 0.000000e+00 : f32
      %broadcast_in_dim3A_294 = vector.broadcast %jit3A_293 : f32 to vector<16x16xf32>
      %select_n3A_295 = arith.select %eq3A_286, %mul3A_103, %broadcast_in_dim3A_294 : vector<16x16xi1>, vector<16x16xf32>
      %reduce_max3A_296 = arith.constant dense<0xFF800000> : vector<16xf32>
      %reduce_max3A_297 = vector.multi_reduction <maximumf>, %select_n3A_295, %reduce_max3A_296 [1] : vector<16x16xf32> to vector<16xf32>
      %broadcast_in_dim3A_298 = vector.shape_cast %reduce_max3A_297 : vector<16xf32> to vector<16x1xf32>
      %eq3A_299 = vector.broadcast %broadcast_in_dim3A_292 : vector<16x1xi32> to vector<16x32000xi32>
      %eq3A_300 = arith.cmpi eq, %iota3A, %eq3A_299 : vector<16x32000xi32>
      %jit3A_301 = arith.constant 0.000000e+00 : f32
      %broadcast_in_dim3A_302 = vector.shape_cast %broadcast_in_dim3A_298 : vector<16x1xf32> to vector<16x1xf32>
      %broadcast_in_dim3A_303 = vector.broadcast %broadcast_in_dim3A_302 : vector<16x1xf32> to vector<16x32000xf32>
      %broadcast_in_dim3A_304 = vector.broadcast %jit3A_301 : f32 to vector<16x32000xf32>
      %select_n3A_305 = arith.select %eq3A_300, %broadcast_in_dim3A_303, %broadcast_in_dim3A_304 : vector<16x32000xi1>, vector<16x32000xf32>
      %add3A_306 = arith.addf %add3A_282, %select_n3A_305 : vector<16x32000xf32>
      %add3A_307 = arith.constant 8 : i32
      %add3A_308 = arith.addi %while3A_116, %add3A_307 : i32
      scf.yield %add3A_308, %add3A_306 : i32, vector<16x32000xf32>
    }
    %log3A = math.log %while3A_113#1 : vector<16x32000xf32>
    %swap3A = arith.constant 0 : index
    %swap3A_114 = arith.constant 0 : index
    %swap3A_115 = vector.load %arg12[%swap3A, %swap3A_114] : memref<16x32000xf32, #tpu.memory_space<vmem>>, vector<16x32000xf32>
    tpu.vector_store %arg12[%swap3A, %swap3A_114], %log3A {strides = array<i32>} : memref<16x32000xf32, #tpu.memory_space<vmem>>, vector<16x32000xf32>,
    return
  }
  func.func @transform_0(%arg0: i32) -> (i32, i32) {
    %c0_i32 = arith.constant 0 : i32
    %c0_i32_0 = arith.constant 0 : i32
    return %arg0, %c0_i32 : i32, i32
  }
  func.func @transform_1(%arg0: i32) -> (i32, i32) {
    %c0_i32 = arith.constant 0 : i32
    %c0_i32_0 = arith.constant 0 : i32
    return %arg0, %c0_i32 : i32, i32
  }
  func.func @transform_2(%arg0: i32) -> (i32, i32) {
    %c0_i32 = arith.constant 0 : i32
    %c0_i32_0 = arith.constant 0 : i32
    return %arg0, %c0_i32 : i32, i32
  }
  func.func @transform_3(%arg0: i32) -> (i32, i32, i32) {
    %c0_i32 = arith.constant 0 : i32
    %c0_i32_0 = arith.constant 0 : i32
    %c0_i32_1 = arith.constant 0 : i32
    return %arg0, %c0_i32, %c0_i32_0 : i32, i32, i32
  }
  func.func @transform_4(%arg0: i32) -> (i32, i32) {
    %c0_i32 = arith.constant 0 : i32
    %c0_i32_0 = arith.constant 0 : i32
    return %arg0, %c0_i32 : i32, i32
  }
  func.func @transform_5(%arg0: i32) -> (i32, i32) {
    %c0_i32 = arith.constant 0 : i32
    %c0_i32_0 = arith.constant 0 : i32
    %c0_i32_1 = arith.constant 0 : i32
    return %c0_i32, %c0_i32_0 : i32, i32
  }
  func.func @transform_6(%arg0: i32) -> (i32, i32) {
    %c0_i32 = arith.constant 0 : i32
    %c0_i32_0 = arith.constant 0 : i32
    %c0_i32_1 = arith.constant 0 : i32
    return %c0_i32, %c0_i32_0 : i32, i32
  }
  func.func @transform_7(%arg0: i32) -> (i32, i32) {
    %c0_i32 = arith.constant 0 : i32
    %c0_i32_0 = arith.constant 0 : i32
    %c0_i32_1 = arith.constant 0 : i32
    return %c0_i32, %c0_i32_0 : i32, i32
  }
  func.func @transform_8(%arg0: i32) -> (i32, i32) {
    %c0_i32 = arith.constant 0 : i32
    %c0_i32_0 = arith.constant 0 : i32
    %c0_i32_1 = arith.constant 0 : i32
    return %c0_i32, %c0_i32_0 : i32, i32
  }
  func.func @transform_9(%arg0: i32) -> (i32, i32) {
    %c0_i32 = arith.constant 0 : i32
    %c0_i32_0 = arith.constant 0 : i32
    %c0_i32_1 = arith.constant 0 : i32
    return %c0_i32, %c0_i32_0 : i32, i32
  }
  func.func @transform_10(%arg0: i32) -> (i32, i32) {
    %c0_i32 = arith.constant 0 : i32
    %c0_i32_0 = arith.constant 0 : i32
    %c0_i32_1 = arith.constant 0 : i32
    return %c0_i32, %c0_i32_0 : i32, i32
  }
  func.func @transform_11(%arg0: i32) -> (i32, i32) {
    %c0_i32 = arith.constant 0 : i32
    %c0_i32_0 = arith.constant 0 : i32
    return %arg0, %c0_i32 : i32, i32
  }
}

</mosaic_0001>

<sc_bundles>
// kernel: kernel.5.cloned.1.call-start
scs
__scs_entry_jumppad:
0x0: {  	(pc) =	sbr.rel $0x88, $3  }
0x1: {  	(tag) =	ssettag $0x0;
	lr =	simm.s32 $0x1  }
0x2: {  	[smem:$0x3F97] =	sst lr;
	_ =	strace $0xD0000000  }
0x3: {  	_ = 	snop  }
0x4: {  	_ = 	snop  }
0x5: {  	_ = 	snop  }
0x6: {  	_ = 	snop  }
0x7: {  	_ = 	snop  }
__scs_overlays_trampoline_lowered:
0x8: {  	[smem:$0x3FA6] =	sst s0  }
0x9: {  	[smem:$0x3FA7] =	sst s1  }
0xa: {  	[smem:$0x3FA8] =	sst s2  }
0xb: {  	[smem:$0x3FA9] =	sst s3  }
0xc: {  	[smem:$0x3FAA] =	sst s4  }
0xd: {  	[smem:$0x3FAB] =	sst s5  }
0xe: {  	[smem:$0x3FAC] =	sst s6  }
0xf: {  	[smem:$0x3FAD] =	sst s7  }
0x10: {  	[smem:$0x3FAE] =	sst s8  }
0x11: {  	[smem:$0x3FAF] =	sst s9;
	s0 =	simm.s32 @!p0 $0x0  }
0x12: {  	s1 =	sld [smem:$0x3F95];
	s0 =	simm.s32 @p0 $0x1  }
0x13: {  	[smem:$0x3FB0] =	sst s0;
	s0 =	simm.s32 @!p1 $0x0  }
0x14: {  	s2 =	sld [smem:$0x3F94];
	s0 =	simm.s32 @p1 $0x1  }
0x15: {  	[smem:$0x3FB1] =	sst s0;
	s0 =	simm.s32 @!p2 $0x0  }
0x16: {  	s3 =	sld [smem:$0x3FDB];
	s0 =	simm.s32 @p2 $0x1  }
0x17: {  	s4 =	simm.s32 $0x1BF5;
	[smem:$0x3FB3] =	sst s0  }
0x18: {  	s0 =	sld [smem:$0x3F96];
	_ =	swait.ge [sflag:s4], $0x0  }
0x19: {  	s7 =	sld [smem:$0x3F97]  }
0x1a: {  	s8 =	sadd.s32 $0xFFFFE003, lr  }
0x1b: {  	s9 =	sadd.s32 $0xFFFFFEF7, lr;
	s5 =	simm.s32 $0xFFFFFFFF;
	p2 =	slt.u32 s8, $0xFFFFF086  }
0x1c: {  	p1 =	slt.u32 s9, $0xF7A;
	s5 =	simm.s32 @!p2 $0x0  }
0x1d: {  	s5 =	simm.s32 @p1 $0x1;
	p0 =	seq.s32 s7, s2  }
0x1e: {  	s7 =	smul.u32 @!p0 $0xF7A, s2;
	p2 =	seq.s32 @!p0 s5, $0x0  }
0x1f: {  	s9 =	smul.u32 $0xF7A, s1;
	s8 =	simm.s32 @!p0 $0x1BF5;
	p2 =	por !p2, p0  }
0x20: {  	[sflag:s8] =	ssyncset.s32 @!p0 $0xFFFFF086;
	s6 =	sadd.s32 @!p0 s3, s7;
	s7 =	simm.s32 @!p0 $0x108  }
0x21: {  	s3 =	sadd.s32 s3, s9;
	s6 =	sadd.s32 @!p0 $0x88, s6;
	s7 =	simm.s32 @p2 $0x1082  }
0x22: {  	[simem:s7], [sflag:s8] =	dma.local @!p0 [hbm:s6], $0xF7A  }
0x23: {  	s9 =	sor.u32 $0xD0000000, s2;
	s6 =	simm.s32 $0x108;
	_ =	swait.ge @!p0 [sflag:s8], $0x0  }
0x24: {  	s3 =	sadd.s32 $0x88, s3;
	s6 =	simm.s32 @!p1 $0x1082;
	[sflag:s4] =	ssyncset.s32 $0xFFFFF086  }
0x25: {  	[simem:s6], [sflag:s4] =	dma.local [hbm:s3], $0xF7A  }
0x26: {  	[smem:$0x3F97] =	sst s1;
	(tag) =	ssettag s2;
	_ =	strace s9  }
0x27: {  	s1 =	sld [smem:$0x3FA7]  }
0x28: {  	s2 =	sld [smem:$0x3FA8]  }
0x29: {  	s4 =	sld [smem:$0x3FAA]  }
0x2a: {  	p0 =	seq.s32 s5, $0x0;
	s5 =	sld [smem:$0x3FAB]  }
0x2b: {  	s6 =	sld [smem:$0x3FAC]  }
0x2c: {  	s7 =	sld [smem:$0x3FAD]  }
0x2d: {  	s3 =	simm.s32 $0x108;
	s8 =	sld [smem:$0x3FAE]  }
0x2e: {  	s3 =	simm.s32 @!p0 $0x1082;
	s9 =	sld [smem:$0x3FAF]  }
0x2f: {  	lr =	sadd.s32 s0, s3;
	s0 =	sld [smem:$0x3FA6]  }
0x30: {  	s3 =	sld [smem:$0x3FA9]  }
0x31: {  	[smem:$0x3FB2] =	sst s10  }
0x32: {  	s10 =	sld [smem:$0x3FB0];
	_ =	sdelay $0x3  }
0x33: {  	p0 =	seq.s32 s10, $0x1;
	s10 =	sld [smem:$0x3FB2];
	_ =	sdelay $0x3  }
0x34: {  	[smem:$0x3FB2] =	sst s10  }
0x35: {  	s10 =	sld [smem:$0x3FB1];
	_ =	sdelay $0x3  }
0x36: {  	p1 =	seq.s32 s10, $0x1;
	s10 =	sld [smem:$0x3FB2];
	_ =	sdelay $0x3  }
0x37: {  	[smem:$0x3FB2] =	sst s10  }
0x38: {  	s10 =	sld [smem:$0x3FB3]  }
0x39: {  	_ = 	snop;
	(pc) =	sbr.ind lr, $3  }
0x3a: {  	_ = 	snop  }
0x3b: {  	_ = 	snop  }
0x3c: {  	p2 =	seq.s32 s10, $0x1;
	s10 =	sld [smem:$0x3FB2]  }
0x3d: {  	_ =	shalt  }
0x3e: {  	_ =	shalt  }
0x3f: {  	_ =	shalt  }
0x40: {  	_ =	shalt  }
0x41: {  	_ =	shalt  }
0x42: {  	_ =	shalt  }
0x43: {  	_ =	shalt  }
0x44: {  	_ =	shalt  }
0x45: {  	_ =	shalt  }
0x46: {  	_ =	shalt  }
0x47: {  	_ =	shalt  }
0x48: {  	_ =	shalt  }
0x49: {  	_ =	shalt  }
0x4a: {  	_ =	shalt  }
0x4b: {  	_ =	shalt  }
0x4c: {  	_ =	shalt  }
0x4d: {  	_ =	shalt  }
0x4e: {  	_ =	shalt  }
0x4f: {  	_ =	shalt  }
0x50: {  	_ =	shalt  }
0x51: {  	_ =	shalt  }
0x52: {  	_ =	shalt  }
0x53: {  	_ =	shalt  }
0x54: {  	_ =	shalt  }
0x55: {  	_ =	shalt  }
0x56: {  	_ =	shalt  }
0x57: {  	_ =	shalt  }
0x58: {  	_ =	shalt  }
0x59: {  	_ =	shalt  }
0x5a: {  	_ =	shalt  }
0x5b: {  	_ =	shalt  }
0x5c: {  	_ =	shalt  }
0x5d: {  	_ =	shalt  }
0x5e: {  	_ =	shalt  }
0x5f: {  	_ =	shalt  }
0x60: {  	_ =	shalt  }
0x61: {  	_ =	shalt  }
0x62: {  	_ =	shalt  }
0x63: {  	_ =	shalt  }
0x64: {  	_ =	shalt  }
0x65: {  	_ =	shalt  }
0x66: {  	_ =	shalt  }
0x67: {  	_ =	shalt  }
0x68: {  	_ =	shalt  }
0x69: {  	_ =	shalt  }
0x6a: {  	_ =	shalt  }
0x6b: {  	_ =	shalt  }
0x6c: {  	_ =	shalt  }
0x6d: {  	_ =	shalt  }
0x6e: {  	_ =	shalt  }
0x6f: {  	_ =	shalt  }
0x70: {  	_ =	shalt  }
0x71: {  	_ =	shalt  }
0x72: {  	_ =	shalt  }
0x73: {  	_ =	shalt  }
0x74: {  	_ =	shalt  }
0x75: {  	_ =	shalt  }
0x76: {  	_ =	shalt  }
0x77: {  	_ =	shalt  }
0x78: {  	_ =	shalt  }
0x79: {  	_ =	shalt  }
0x7a: {  	_ =	shalt  }
0x7b: {  	_ =	shalt  }
0x7c: {  	_ =	shalt  }
0x7d: {  	_ =	shalt  }
0x7e: {  	_ =	shalt  }
0x7f: {  	_ =	shalt  }
0x80: {  	_ =	shalt  }
0x81: {  	_ =	shalt  }
0x82: {  	_ =	shalt  }
0x83: {  	_ =	shalt  }
0x84: {  	_ =	shalt  }
0x85: {  	_ =	shalt  }
0x86: {  	_ =	shalt  }
0x87: {  	_ =	shalt  }
.Lfunc_end0:
.L_simem_size_0:
called_computation_lowered:
.L_overlay_start_0:
0x88: {  	s2 =	sld [smem:$0x3FD9]  }
0x89: {  	s3 =	sld [smem:$0x3FFE];
	_ =	sdelay $0x1  }
0x8a: {  	s1 =	srdreg.scid  }
0x8b: {  	s0 =	sand.u32 $0x1, s1  }
0x8c: {  	s17 =	sshll.u32 s0, $0xA;
	s2 =	sadd.s32 s3, s2  }
0x8d: {  	s2 =	sadd.s32 s2, s17  }
0x8e: {  	[smem:$0x3FBE] =	sst s2  }
0x8f: {  	_ = 	snop  }
0x90: {  	s2 =	sld [smem:$0x3FC7]  }
0x91: {  	s18 =	sld [smem:$0x3FD0];
	(tm) =	ssettm $0x1  }
0x92: {  	s4 =	sld [smem:$0x3FFB];
	_ =	sdelay $0x3  }
0x93: {  	_ =	strace s4  }
0x94: {  	s4 =	sld [smem:$0x3FFC];
	_ =	sdelay $0x3  }
0x95: {  	_ =	strace s4  }
0x96: {  	s4 =	sld [smem:$0x3FFD];
	_ =	sdelay $0x3  }
0x97: {  	_ =	strace s4  }
0x98: {  	_ =	strace $0x8FFFFFFF  }
0x99: {  	s19 =	sld [smem:$0x3FDB];
	_ =	sdelay $0x1  }
0x9a: {  	s5 =	simm.s32 $_scs_section_size  }
0x9b: {  	s6 =	simm.s32 $_size__tile_overlayer_lowered;
	s7 =	simm.s32 $_tile_overlayer_lowered  }
0x9c: {  	s22 =	simm.s32 $0x1BFF;
	s21 =	sshll.u32 s7, $0x1;
	s4 =	sadd.s32 s5, s19  }
0x9d: {  	s8 =	simm.s32 $0x0;
	s20 =	sshll.u32 s6, $0x1;
	s6 =	sadd.s32 s21, s4  }
0x9e: {  	[timem:s8], [sflag:s22] =	dma.local [hbm:s6], s20  }
0x9f: {  	_ =	swait.ge [sflag:s22], s20  }
0xa0: {  	s5 =	ssub.s32 $0x0, s20;
	[sflag:s22] =	ssyncset.done $0x0  }
0xa1: {  	[sflag:s22] =	ssyncadd.s32 s5;
	_ =	sdelay $0x1  }
0xa2: {  	s23 =	simm.s32 $0x1B8B  }
0xa3: {  	_ =	swait.ge [sflag:s23], $0x1  }
0xa4: {  	[sflag:s23] =	ssyncset.done $0x0  }
0xa5: {  	s25 =	simm.s32 $0x1B8E;
	s24 =	sld [smem:$0x3FFE];
	[sflag:s23] =	ssyncadd.s32 $0xFFFFFFFF  }
0xa6: {  	s26 =	simm.s32 $execute0_lowered;
	[smem:$0x3FD2] =	sst s25  }
0xa7: {  	s6 =	sshll.u32 s26, $0x1;
	_ =	strace $0x80000046;
	[dreg:$0x1] =	wrdreg $0xFFFFFFFF  }
0xa8: {  	s28 =	simm.s32 $_size_execute0_lowered;
	s4 =	sadd.s32 s4, s6;
	[dreg:$0x0] =	wrdreg $0x0  }
0xa9: {  	s6 =	sshll.u32 s28, $0x1;
	[dreg:$0x2] =	wrdreg s4  }
0xaa: {  	[dreg:$0x3] =	wrdreg s6  }
0xab: {  	[dreg:$0x4] =	wrdreg $0xC0  }
0xac: {  	_ =	task [dreg:s8], $0x5FFFF  }
0xad: {  	[dreg:$0x1] =	wrdreg $0xFFFFFFFF  }
0xae: {  	[dreg:$0x0] =	wrdreg $0x60  }
0xaf: {  	[dreg:$0x2] =	wrdreg s2  }
0xb0: {  	[dreg:$0x3] =	wrdreg s24  }
0xb1: {  	[dreg:$0x4] =	wrdreg s18  }
0xb2: {  	[dreg:$0x5] =	wrdreg $0x9  }
0xb3: {  	_ =	task.clear_ibuf [dreg:s8], $0x6FFFF;
	_ =	strace $0x90000046  }
0xb4: {  	s29 =	simm.s32 $0x9;
	_ =	strace $0x80000048  }
0xb5: {  	_ =	swait.ge [sflag:s29], $0x1  }
0xb6: {  	[sflag:s29] =	ssyncadd.s32 $0xFFFFFFFF  }
0xb7: {  	_ =	strace $0x90000048  }
0xb8: {  	_ =	sfence  }
0xb9: {  	s30 =	sld [smem:$0x0];
	_ =	sdelay $0x2  }
0xba: {  	s31 =	sshll.u32 s1, $0xD;
	s1 =	sshrl.u32 s1, $0x2  }
0xbb: {  	s3 =	sand.u32 $0x4000, s31;
	s1 =	sadd.s32 s1, s30  }
0xbc: {  	s0 =	sor.u32 s3, s0;
	s1 =	sshll.u32 s1, $0x11  }
0xbd: {  	s0 =	sor.u32 s1, s0  }
0xbe: {  	s0 =	sadd.s32 $0x8F2B, s0  }
0xbf: {  	[sflag:s0] =	ssyncadd.remote.s32 $0x1  }
0xc0: {  	_ =	sfence.sel $0xFFFF  }
0xc1: {  	[dreg:$0x0] =	wrdreg $0xFFFFFFFF;
	(pc) =	sbr.abs _section_cstart, $3  }
0xc2: {  	[dreg:$0x1] =	wrdreg $0xFFFFFFFF  }
0xc3: {  	_ =	task.clear_ibuf [dreg:s8], $0x2FFFF;
	_ =	strace $0x9FFFFFFF  }
0xc4: {  	(tm) =	ssettm $0x7FFFFFFF  }
0xc5: {  	_ =	shalt  }
tec
execute0_lowered:
.L_overlay_start_1:
0x0: {  	(tag) =	ssettag $0x1  }
0x1: {  	s2 =	srdreg.scid  }
0x2: {  	s1 =	rddreg [dreg:$0x0];
	s0 =	stileid.u32;
	s6 =	sand.u32 $0x1, s2  }
0x3: {  	s4 =	rddreg [dreg:$0x1];
	s30 =	sshll.u32 s0, $0x8;
	s3 =	sshll.u32 s6, $0x7  }
0x4: {  	s8 =	rddreg [dreg:$0x2];
	s9 =	sor.u32 s3, s30  }
0x5: {  	s2 =	rddreg [dreg:$0x3];
	s3 =	simm.s32 $0x0;
	s5 =	sshrl.u32 s9, $0x3  }
0x6: {  	s10 =	ssub.s32 $0x2, s6;
	[smem:$0x7FF] =	sst s3;
	s4 =	sadd.s32 s5, s4  }
0x7: {  	_ =	strace $0x80000047;
	s5 =	sadd.s32 $0x1400, s4;
	s4 =	simm.s32 $0x2  }
0x8: {  	[tilespmem:s3], [sflag:$0x2] =	stream.linear.gather [hbm4b:s5+s3], $0x80, $0x38;
	[tilespmem:$0x4080] =	vst v63  }
0x9: {  	s11 =	sshrl.u32 s10, $0x1;
	_ =	swait.ge [sflag:s4], $0x80  }
0xa: {  	s7 =	simm.s32 $0x1;
	s10 =	ssub.s32 s10, s11;
	[sflag:s4] =	ssyncset.done $0x0  }
0xb: {  	s6 =	simm.s32 $0x80;
	s31 =	smax.u32 s10, $0x1;
	[sflag:s4] =	ssyncadd.s32 $0xFFFFFF80  }
0xc: {  	[tilespmem:s6], [sflag:$0x1] =	stream.indirect.gather [hbm4b:s1+s6], $0x80, s3, s6, $0xb8;
	[tilespmem:$0x4080] =	vst v63  }
0xd: {  	p0 =	sne.s32 s31, $0x1;
	_ =	swait.ge [sflag:s7], $0x4000  }
.Ltmp0:
0xe: {  	s9 =	sshll.u32 s9, $0x4;
	[sflag:s7] =	ssyncset.done $0x0;
	(pc) =	sbr.rel @!p0 .LBB2_2-.Ltmp0, $4  }
0xf: {  	s8 =	sadd.s32 s8, s9;
	[sflag:s7] =	ssyncadd.s32 $0xFFFFC000  }
0x10: {  	[hbm4b:s8+s3] =	stream.linear.scatter [tilespmem:s6], [sflag:$0x2], $0x4000, $0x38;
	[tilespmem:$0x4080] =	vst v63  }
0x11: {  	_ =	swait.ge [sflag:s4], $0x4000  }
0x12: {  	s9 =	sadd.s32 $0xFFFFFFFF, s31;
	[sflag:s4] =	ssyncset.done $0x0  }
.LBB2_1:
0x13: {  	p0 =	sne.s32 s9, $0x1;
	s9 =	sadd.s32 $0xFFFFFFFF, s9;
	[sflag:s4] =	ssyncadd.s32 $0xFFFFC000  }
0x14: {  	[tilespmem:s3], [sflag:$0x2] =	stream.linear.gather [hbm4b:s5+s3], $0x80, $0x38;
	[tilespmem:$0x4080] =	vst v63  }
0x15: {  	_ =	swait.ge [sflag:s4], $0x80  }
0x16: {  	[sflag:s4] =	ssyncset.done $0x0  }
0x17: {  	[sflag:s4] =	ssyncadd.s32 $0xFFFFFF80  }
0x18: {  	[tilespmem:s6], [sflag:$0x1] =	stream.indirect.gather [hbm4b:s1+s6], $0x80, s3, s6, $0xb8;
	[tilespmem:$0x4080] =	vst v63  }
0x19: {  	_ =	swait.ge [sflag:s7], $0x4000  }
.Ltmp1:
0x1a: {  	[sflag:s7] =	ssyncset.done $0x0;
	(pc) =	sbr.rel @p0 .LBB2_1-.Ltmp1, $4  }
0x1b: {  	[sflag:s7] =	ssyncadd.s32 $0xFFFFC000  }
0x1c: {  	[hbm4b:s8+s3] =	stream.linear.scatter [tilespmem:s6], [sflag:$0x2], $0x4000, $0x38;
	[tilespmem:$0x4080] =	vst v63  }
0x1d: {  	_ =	swait.ge [sflag:s4], $0x4000  }
0x1e: {  	[sflag:s4] =	ssyncset.done $0x0  }
.LBB2_2:
0x1f: {  	[sflag:s4] =	ssyncadd.s32 $0xFFFFC000  }
0x20: {  	_ =	sfence.sel $0x180000  }
0x21: {  	[bflag:$0x0] =	sbarrier.arrive $0xFFFF  }
0x22: {  	p0 =	sne.s32 s0, $0x0;
	_ =	strace $0x90000047  }
0x23: {  	s0 =	sadd.s32 @!p0 $0x100000, s2;
	[bflag:$0x2] =	sbarrier.arrive $0xFFFF  }
0x24: {  	[sflag:s0] =	ssyncadd.tile.s32 @!p0 $0x1;
	_ =	shalt  }
.Lfunc_end2:
_tile_overlayer_lowered:
.L_overlay_start_2:
0x25: {  	(tag) =	ssettag $0x2  }
0x26: {  	s0 =	rddreg [dreg:$0x0];
	s2 =	stileid.u32  }
0x27: {  	s1 =	rddreg [dreg:$0x1];
	p0 =	sne.s32 s2, $0x0  }
0x28: {  	s3 =	rddreg [dreg:$0x2];
	[bflag:$0x3] =	sbarrier.arrive $0xFFFF;
	s2 =	simm.s32 @!p0 $0x1C02  }
0x29: {  	[timem:s3], [sflag:s2] =	dma.local @!p0 [hbm:s0], s1  }
0x2a: {  	s0 =	simm.s32 @!p0 $0x2  }
0x2b: {  	_ =	swait.ge @!p0 [sflag:s0], s1  }
0x2c: {  	s1 =	ssub.s32 @!p0 $0x0, s1;
	[sflag:s0] =	ssyncset.done @!p0 $0x0  }
0x2d: {  	[sflag:s0] =	ssyncadd.s32 @!p0 s1  }
0x2e: {  	[bflag:$0x3] =	sbarrier.arrive $0xFFFF  }
0x2f: {  	_ =	shalt  }

</sc_bundles>
